<compile_context>
chip_gen: v7x
topology: tpu7x:2x2x1
jax: 0.10.2.dev20260603
libtpu: 0.0.44.dev20260713+nightly
codegen_flags: <defaults>
</compile_context>

<pallas_src>
import functools

import jax
import jax.numpy as jnp
from jax import lax
from jax.experimental import pallas as pl
from jax.experimental.pallas import tpu as pltpu
from jax.experimental.pallas import tpu_sc as plsc

_EMB = 32
_L = 16
_NC = 2
_NS = 16
_NW = _NC * _NS
_CH = 128


def _make_gather(batch: int, hist: int):
    k_vec = _CH // _L
    n_pairs = hist // 2

    mesh = plsc.VectorSubcoreMesh(core_axis_name="c", subcore_axis_name="s")

    @functools.partial(
        pl.kernel,
        mesh=mesh,
        compiler_params=pltpu.CompilerParams(
            use_tc_tiling_on_sc=False, needs_layout_passes=False),
        out_type=jax.ShapeDtypeStruct((hist, batch, _EMB), jnp.float32),
        scratch_types=[
            pltpu.VMEM((hist, _CH), jnp.int32),
            pltpu.VMEM((2, _CH, _EMB), jnp.float32),
            pltpu.SemaphoreType.DMA,
            pltpu.SemaphoreType.DMA,
            pltpu.SemaphoreType.DMA,
            pltpu.SemaphoreType.DMA,
        ],
    )
    def gather_kernel(xt_hbm, table_hbm, out_hbm, idx_v, rows_v,
                      gsem0, gsem1, wsem0, wsem1):
        gsems = (gsem0, gsem1)
        wsems = (wsem0, wsem1)
        wid = lax.axis_index("s") * _NC + lax.axis_index("c")
        base_b = wid * _CH
        pltpu.sync_copy(xt_hbm.at[:, pl.ds(base_b, _CH)], idx_v)

        def prep(h):
            for k in range(k_vec):
                sl = pl.ds(k * _L, _L)
                idx_v[h, sl] = idx_v[h, sl] + 1

        def fire(h, buf):
            pltpu.async_copy(
                table_hbm.at[idx_v.at[h]], rows_v.at[buf], gsems[buf])

        def wait_gather(buf):
            pltpu.make_async_copy(
                table_hbm.at[pl.ds(0, _CH)], rows_v.at[buf],
                gsems[buf]).wait()

        def write(h, buf):
            pltpu.async_copy(
                rows_v.at[buf],
                out_hbm.at[h, pl.ds(base_b, _CH)],
                wsems[buf])

        def wait_write(buf):
            pltpu.make_async_copy(
                rows_v.at[buf], out_hbm.at[0, pl.ds(base_b, _CH)],
                wsems[buf]).wait()

        prep(0)
        fire(0, 0)
        prep(1)
        fire(1, 1)

        def outer(o, carry):
            h0 = 2 * o
            wait_gather(0)
            write(h0, 0)

            @pl.when(o < n_pairs - 1)
            def _():
                prep(h0 + 2)
                wait_write(0)
                fire(h0 + 2, 0)

            wait_gather(1)
            write(h0 + 1, 1)

            @pl.when(o < n_pairs - 1)
            def _():
                prep(h0 + 3)
                wait_write(1)
                fire(h0 + 3, 1)

            return carry

        lax.fori_loop(0, n_pairs, outer, 0)
        wait_write(0)
        wait_write(1)

    return gather_kernel


def kernel(x, emb_usr):
    batch, hist = x.shape
    xt = x.T
    out_t = _make_gather(batch, hist)(xt, emb_usr)
    return out_t.transpose(1, 0, 2)

# --- scband reference (transcript-rebuilt; emitter-appended) ---
"""Pipeline reference for scband-usr-emb-23476291240225 (READ-ONLY COPY).

The authoritative reference and input builder live on the scoring server;
editing this copy changes nothing except your own understanding.
"""

import jax, jax.numpy as jnp
import numpy as np

USR_SIZE = 1000000  # param.usr_size; table has usr_size + 1 rows
EMB = 32            # param.usr_emb_size
BATCH = 4096
HIST = 50


def setup_inputs(seed: int = 0) -> dict:
    key = jax.random.key(seed)
    k1, k2 = jax.random.split(key)
    # user ids drawn from the known USERLIST = arange(USR_SIZE)
    x = jax.random.randint(k1, (BATCH, HIST), 0, USR_SIZE, dtype=jnp.int32)
    # learned embedding table: (usr_size + 1, usr_emb_size)
    emb_usr = jax.random.normal(k2, (USR_SIZE + 1, EMB), dtype=jnp.float32)
    return {"x": x, "emb_usr": emb_usr}


def reference(x, emb_usr):
    # USERLIST = np.append(-1, param.USERLIST) with param.USERLIST = arange(usr_size)
    # -> sorted array [-1, 0, 1, ..., usr_size-1]
    userlist = jnp.concatenate(
        [jnp.array([-1], dtype=x.dtype), jnp.arange(USR_SIZE, dtype=x.dtype)]
    )
    # torch code: usr2id[i, j] = np.where(USERLIST == x[i, j])[0][0]
    # since USERLIST is sorted and every x value is present, searchsorted gives the
    # identical first-match index.
    usr2id = jnp.searchsorted(userlist, x, method='sort')
    # nn.Embedding lookup -> gather rows
    return jnp.take(emb_usr, usr2id, axis=0)

if __name__ == "__main__":
    import jax
    _d = setup_inputs()
    print(jax.jit(kernel)(*tuple(_d.values())))

</pallas_src>

<mosaic_0001>
#map = affine_map<(d0, d1) -> (0, 0)>
#map1 = affine_map<(d0, d1) -> (0, 0, 0)>
module attributes {stable_mosaic.version = 14 : i64} {
  func.func @gather_kernel(%arg0: i32, %arg1: i32, %arg2: memref<50x4096xi32, #tpu.memory_space<hbm>>, %arg3: memref<1000001x32xf32, #tpu.memory_space<hbm>>, %arg4: memref<50x4096x32xf32, #tpu.memory_space<hbm>>, %arg5: memref<50x128xi32, #tpu.memory_space<vmem>>, %arg6: memref<2x128x32xf32, #tpu.memory_space<vmem>>, %arg7: memref<!tpu.dma_semaphore, #tpu.memory_space<semaphore_mem>>, %arg8: memref<!tpu.dma_semaphore, #tpu.memory_space<semaphore_mem>>, %arg9: memref<!tpu.dma_semaphore, #tpu.memory_space<semaphore_mem>>, %arg10: memref<!tpu.dma_semaphore, #tpu.memory_space<semaphore_mem>>) attributes {dimension_semantics = [#tpu.dimension_semantics<core_parallel>, #tpu.dimension_semantics<subcore_parallel>], iteration_bounds = array<i64: 2, 16>, scalar_prefetch = 0 : i64, scratch_operands = 6 : i64, tpu.core_type = #tpu.core_type<sc_vector_subcore>, window_params = [{transform_indices = #map}, {transform_indices = #map}, {transform_indices = #map1}]} {
    %mul3A = arith.constant 2 : i32
    %mul3A_0 = arith.muli %arg1, %mul3A : i32
    %add3A = arith.addi %mul3A_0, %arg0 : i32
    %mul3A_1 = arith.constant 128 : i32
    %mul3A_2 = arith.muli %add3A, %mul3A_1 : i32
    "tpu.region"() ({
      %run_scoped3A = tpu.sem_alloc : memref<!tpu.dma_semaphore, #tpu.memory_space<semaphore_mem>>
      %dma_start3A_236 = arith.constant 0 : i32
      %dma_start3A_237 = tpu.memref_slice %arg2[%dma_start3A_236, %mul3A_2] : memref<50x4096xi32, #tpu.memory_space<hbm>> -> memref<50x128xi32, #tpu.memory_space<hbm>>
      %dma_start3A_238 = arith.constant 0 : i32
      %dma_start3A_239 = tpu.memref_slice %arg2[%dma_start3A_238, %mul3A_2] : memref<50x4096xi32, #tpu.memory_space<hbm>> -> memref<50x128xi32, #tpu.memory_space<hbm>>
      tpu.enqueue_dma source(%dma_start3A_239 : memref<50x128xi32, #tpu.memory_space<hbm>>) target(%arg5 : memref<50x128xi32, #tpu.memory_space<vmem>>) target_semaphore(%run_scoped3A : memref<!tpu.dma_semaphore, #tpu.memory_space<semaphore_mem>>)
      %dma_wait3A_240 = arith.constant 0 : i32
      %dma_wait3A_241 = tpu.memref_slice %arg2[%dma_wait3A_240, %mul3A_2] : memref<50x4096xi32, #tpu.memory_space<hbm>> -> memref<50x128xi32, #tpu.memory_space<hbm>>
      %dma_wait3A_242 = arith.constant 0 : i32
      %dma_wait3A_243 = tpu.memref_slice %arg2[%dma_wait3A_242, %mul3A_2] : memref<50x4096xi32, #tpu.memory_space<hbm>> -> memref<50x128xi32, #tpu.memory_space<hbm>>
      tpu.wait_dma2 semaphore(%run_scoped3A : memref<!tpu.dma_semaphore, #tpu.memory_space<semaphore_mem>>) src(%dma_wait3A_243 : memref<50x128xi32, #tpu.memory_space<hbm>>) dst(%arg5 : memref<50x128xi32, #tpu.memory_space<vmem>>)
      tpu.yield
    }) : () -> ()
    %get3A = arith.constant 0 : i32
    %get3A_3 = arith.index_cast %get3A : i32 to index
    %get3A_4 = arith.constant 0 : index
    %get3A_5 = tpu.vector_load %arg5[%get3A_3, %get3A_4] {strides = array<i32>} : memref<50x128xi32, #tpu.memory_space<vmem>>, vector<16xi32>,
    %add3A_6 = arith.constant 1 : i32
    %add3A_7 = vector.broadcast %add3A_6 : i32 to vector<16xi32>
    %add3A_8 = arith.addi %get3A_5, %add3A_7 : vector<16xi32>
    %swap3A = arith.constant 0 : i32
    %swap3A_9 = arith.index_cast %swap3A : i32 to index
    %swap3A_10 = arith.constant 0 : index
    %swap3A_11 = tpu.vector_load %arg5[%swap3A_9, %swap3A_10] {strides = array<i32>} : memref<50x128xi32, #tpu.memory_space<vmem>>, vector<16xi32>,
    tpu.vector_store %arg5[%swap3A_9, %swap3A_10], %add3A_8 {strides = array<i32>} : memref<50x128xi32, #tpu.memory_space<vmem>>, vector<16xi32>,
    %get3A_12 = arith.constant 0 : i32
    %get3A_13 = arith.index_cast %get3A_12 : i32 to index
    %get3A_14 = arith.constant 16 : index
    %get3A_15 = tpu.vector_load %arg5[%get3A_13, %get3A_14] {strides = array<i32>} : memref<50x128xi32, #tpu.memory_space<vmem>>, vector<16xi32>,
    %add3A_16 = arith.constant 1 : i32
    %add3A_17 = vector.broadcast %add3A_16 : i32 to vector<16xi32>
    %add3A_18 = arith.addi %get3A_15, %add3A_17 : vector<16xi32>
    %swap3A_19 = arith.constant 0 : i32
    %swap3A_20 = arith.index_cast %swap3A_19 : i32 to index
    %swap3A_21 = arith.constant 16 : index
    %swap3A_22 = tpu.vector_load %arg5[%swap3A_20, %swap3A_21] {strides = array<i32>} : memref<50x128xi32, #tpu.memory_space<vmem>>, vector<16xi32>,
    tpu.vector_store %arg5[%swap3A_20, %swap3A_21], %add3A_18 {strides = array<i32>} : memref<50x128xi32, #tpu.memory_space<vmem>>, vector<16xi32>,
    %get3A_23 = arith.constant 0 : i32
    %get3A_24 = arith.index_cast %get3A_23 : i32 to index
    %get3A_25 = arith.constant 32 : index
    %get3A_26 = tpu.vector_load %arg5[%get3A_24, %get3A_25] {strides = array<i32>} : memref<50x128xi32, #tpu.memory_space<vmem>>, vector<16xi32>,
    %add3A_27 = arith.constant 1 : i32
    %add3A_28 = vector.broadcast %add3A_27 : i32 to vector<16xi32>
    %add3A_29 = arith.addi %get3A_26, %add3A_28 : vector<16xi32>
    %swap3A_30 = arith.constant 0 : i32
    %swap3A_31 = arith.index_cast %swap3A_30 : i32 to index
    %swap3A_32 = arith.constant 32 : index
    %swap3A_33 = tpu.vector_load %arg5[%swap3A_31, %swap3A_32] {strides = array<i32>} : memref<50x128xi32, #tpu.memory_space<vmem>>, vector<16xi32>,
    tpu.vector_store %arg5[%swap3A_31, %swap3A_32], %add3A_29 {strides = array<i32>} : memref<50x128xi32, #tpu.memory_space<vmem>>, vector<16xi32>,
    %get3A_34 = arith.constant 0 : i32
    %get3A_35 = arith.index_cast %get3A_34 : i32 to index
    %get3A_36 = arith.constant 48 : index
    %get3A_37 = tpu.vector_load %arg5[%get3A_35, %get3A_36] {strides = array<i32>} : memref<50x128xi32, #tpu.memory_space<vmem>>, vector<16xi32>,
    %add3A_38 = arith.constant 1 : i32
    %add3A_39 = vector.broadcast %add3A_38 : i32 to vector<16xi32>
    %add3A_40 = arith.addi %get3A_37, %add3A_39 : vector<16xi32>
    %swap3A_41 = arith.constant 0 : i32
    %swap3A_42 = arith.index_cast %swap3A_41 : i32 to index
    %swap3A_43 = arith.constant 48 : index
    %swap3A_44 = tpu.vector_load %arg5[%swap3A_42, %swap3A_43] {strides = array<i32>} : memref<50x128xi32, #tpu.memory_space<vmem>>, vector<16xi32>,
    tpu.vector_store %arg5[%swap3A_42, %swap3A_43], %add3A_40 {strides = array<i32>} : memref<50x128xi32, #tpu.memory_space<vmem>>, vector<16xi32>,
    %get3A_45 = arith.constant 0 : i32
    %get3A_46 = arith.index_cast %get3A_45 : i32 to index
    %get3A_47 = arith.constant 64 : index
    %get3A_48 = tpu.vector_load %arg5[%get3A_46, %get3A_47] {strides = array<i32>} : memref<50x128xi32, #tpu.memory_space<vmem>>, vector<16xi32>,
    %add3A_49 = arith.constant 1 : i32
    %add3A_50 = vector.broadcast %add3A_49 : i32 to vector<16xi32>
    %add3A_51 = arith.addi %get3A_48, %add3A_50 : vector<16xi32>
    %swap3A_52 = arith.constant 0 : i32
    %swap3A_53 = arith.index_cast %swap3A_52 : i32 to index
    %swap3A_54 = arith.constant 64 : index
    %swap3A_55 = tpu.vector_load %arg5[%swap3A_53, %swap3A_54] {strides = array<i32>} : memref<50x128xi32, #tpu.memory_space<vmem>>, vector<16xi32>,
    tpu.vector_store %arg5[%swap3A_53, %swap3A_54], %add3A_51 {strides = array<i32>} : memref<50x128xi32, #tpu.memory_space<vmem>>, vector<16xi32>,
    %get3A_56 = arith.constant 0 : i32
    %get3A_57 = arith.index_cast %get3A_56 : i32 to index
    %get3A_58 = arith.constant 80 : index
    %get3A_59 = tpu.vector_load %arg5[%get3A_57, %get3A_58] {strides = array<i32>} : memref<50x128xi32, #tpu.memory_space<vmem>>, vector<16xi32>,
    %add3A_60 = arith.constant 1 : i32
    %add3A_61 = vector.broadcast %add3A_60 : i32 to vector<16xi32>
    %add3A_62 = arith.addi %get3A_59, %add3A_61 : vector<16xi32>
    %swap3A_63 = arith.constant 0 : i32
    %swap3A_64 = arith.index_cast %swap3A_63 : i32 to index
    %swap3A_65 = arith.constant 80 : index
    %swap3A_66 = tpu.vector_load %arg5[%swap3A_64, %swap3A_65] {strides = array<i32>} : memref<50x128xi32, #tpu.memory_space<vmem>>, vector<16xi32>,
    tpu.vector_store %arg5[%swap3A_64, %swap3A_65], %add3A_62 {strides = array<i32>} : memref<50x128xi32, #tpu.memory_space<vmem>>, vector<16xi32>,
    %get3A_67 = arith.constant 0 : i32
    %get3A_68 = arith.index_cast %get3A_67 : i32 to index
    %get3A_69 = arith.constant 96 : index
    %get3A_70 = tpu.vector_load %arg5[%get3A_68, %get3A_69] {strides = array<i32>} : memref<50x128xi32, #tpu.memory_space<vmem>>, vector<16xi32>,
    %add3A_71 = arith.constant 1 : i32
    %add3A_72 = vector.broadcast %add3A_71 : i32 to vector<16xi32>
    %add3A_73 = arith.addi %get3A_70, %add3A_72 : vector<16xi32>
    %swap3A_74 = arith.constant 0 : i32
    %swap3A_75 = arith.index_cast %swap3A_74 : i32 to index
    %swap3A_76 = arith.constant 96 : index
    %swap3A_77 = tpu.vector_load %arg5[%swap3A_75, %swap3A_76] {strides = array<i32>} : memref<50x128xi32, #tpu.memory_space<vmem>>, vector<16xi32>,
    tpu.vector_store %arg5[%swap3A_75, %swap3A_76], %add3A_73 {strides = array<i32>} : memref<50x128xi32, #tpu.memory_space<vmem>>, vector<16xi32>,
    %get3A_78 = arith.constant 0 : i32
    %get3A_79 = arith.index_cast %get3A_78 : i32 to index
    %get3A_80 = arith.constant 112 : index
    %get3A_81 = tpu.vector_load %arg5[%get3A_79, %get3A_80] {strides = array<i32>} : memref<50x128xi32, #tpu.memory_space<vmem>>, vector<16xi32>,
    %add3A_82 = arith.constant 1 : i32
    %add3A_83 = vector.broadcast %add3A_82 : i32 to vector<16xi32>
    %add3A_84 = arith.addi %get3A_81, %add3A_83 : vector<16xi32>
    %swap3A_85 = arith.constant 0 : i32
    %swap3A_86 = arith.index_cast %swap3A_85 : i32 to index
    %swap3A_87 = arith.constant 112 : index
    %swap3A_88 = tpu.vector_load %arg5[%swap3A_86, %swap3A_87] {strides = array<i32>} : memref<50x128xi32, #tpu.memory_space<vmem>>, vector<16xi32>,
    tpu.vector_store %arg5[%swap3A_86, %swap3A_87], %add3A_84 {strides = array<i32>} : memref<50x128xi32, #tpu.memory_space<vmem>>, vector<16xi32>,
    %dma_start3A = arith.constant 0 : i32
    %dma_start3A_89 = arith.constant 0 : i32
    %dma_start3A_90 = arith.constant 0 : i32
    %dma_start3A_91 = arith.constant 0 : i32
    %dma_start3A_92 = tpu.memref_slice %arg6[%dma_start3A_89, %dma_start3A_90, %dma_start3A_91] : memref<2x128x32xf32, #tpu.memory_space<vmem>> -> memref<1x128x32xf32, #tpu.memory_space<vmem>>
    %dma_start3A_93 = tpu.memref_squeeze %dma_start3A_92 : memref<1x128x32xf32, #tpu.memory_space<vmem>> -> memref<128x32xf32, #tpu.memory_space<vmem>>
    %dma_start3A_94 = arith.constant 0 : i32
    %dma_start3A_95 = tpu.memref_slice %arg5[%dma_start3A, %dma_start3A_94] : memref<50x128xi32, #tpu.memory_space<vmem>> -> memref<1x128xi32, #tpu.memory_space<vmem>>
    %dma_start3A_96 = tpu.memref_squeeze %dma_start3A_95 : memref<1x128xi32, #tpu.memory_space<vmem>> -> memref<128xi32, #tpu.memory_space<vmem>>
    %dma_start3A_97 = arith.constant 0 : i32
    %dma_start3A_98 = arith.constant 0 : i32
    %dma_start3A_99 = tpu.memref_slice %arg3[%dma_start3A_97, %dma_start3A_98] : memref<1000001x32xf32, #tpu.memory_space<hbm>> -> memref<1000001x32xf32, #tpu.memory_space<hbm>>
    tpu.enqueue_indirect_dma source(%dma_start3A_99 : memref<1000001x32xf32, #tpu.memory_space<hbm>>) target(%dma_start3A_93 : memref<128x32xf32, #tpu.memory_space<vmem>>) offsets(%dma_start3A_96 : memref<128xi32, #tpu.memory_space<vmem>>) semaphore(%arg7 : memref<!tpu.dma_semaphore, #tpu.memory_space<semaphore_mem>>)
    %get3A_100 = arith.constant 1 : i32
    %get3A_101 = arith.index_cast %get3A_100 : i32 to index
    %get3A_102 = arith.constant 0 : index
    %get3A_103 = tpu.vector_load %arg5[%get3A_101, %get3A_102] {strides = array<i32>} : memref<50x128xi32, #tpu.memory_space<vmem>>, vector<16xi32>,
    %add3A_104 = arith.constant 1 : i32
    %add3A_105 = vector.broadcast %add3A_104 : i32 to vector<16xi32>
    %add3A_106 = arith.addi %get3A_103, %add3A_105 : vector<16xi32>
    %swap3A_107 = arith.constant 1 : i32
    %swap3A_108 = arith.index_cast %swap3A_107 : i32 to index
    %swap3A_109 = arith.constant 0 : index
    %swap3A_110 = tpu.vector_load %arg5[%swap3A_108, %swap3A_109] {strides = array<i32>} : memref<50x128xi32, #tpu.memory_space<vmem>>, vector<16xi32>,
    tpu.vector_store %arg5[%swap3A_108, %swap3A_109], %add3A_106 {strides = array<i32>} : memref<50x128xi32, #tpu.memory_space<vmem>>, vector<16xi32>,
    %get3A_111 = arith.constant 1 : i32
    %get3A_112 = arith.index_cast %get3A_111 : i32 to index
    %get3A_113 = arith.constant 16 : index
    %get3A_114 = tpu.vector_load %arg5[%get3A_112, %get3A_113] {strides = array<i32>} : memref<50x128xi32, #tpu.memory_space<vmem>>, vector<16xi32>,
    %add3A_115 = arith.constant 1 : i32
    %add3A_116 = vector.broadcast %add3A_115 : i32 to vector<16xi32>
    %add3A_117 = arith.addi %get3A_114, %add3A_116 : vector<16xi32>
    %swap3A_118 = arith.constant 1 : i32
    %swap3A_119 = arith.index_cast %swap3A_118 : i32 to index
    %swap3A_120 = arith.constant 16 : index
    %swap3A_121 = tpu.vector_load %arg5[%swap3A_119, %swap3A_120] {strides = array<i32>} : memref<50x128xi32, #tpu.memory_space<vmem>>, vector<16xi32>,
    tpu.vector_store %arg5[%swap3A_119, %swap3A_120], %add3A_117 {strides = array<i32>} : memref<50x128xi32, #tpu.memory_space<vmem>>, vector<16xi32>,
    %get3A_122 = arith.constant 1 : i32
    %get3A_123 = arith.index_cast %get3A_122 : i32 to index
    %get3A_124 = arith.constant 32 : index
    %get3A_125 = tpu.vector_load %arg5[%get3A_123, %get3A_124] {strides = array<i32>} : memref<50x128xi32, #tpu.memory_space<vmem>>, vector<16xi32>,
    %add3A_126 = arith.constant 1 : i32
    %add3A_127 = vector.broadcast %add3A_126 : i32 to vector<16xi32>
    %add3A_128 = arith.addi %get3A_125, %add3A_127 : vector<16xi32>
    %swap3A_129 = arith.constant 1 : i32
    %swap3A_130 = arith.index_cast %swap3A_129 : i32 to index
    %swap3A_131 = arith.constant 32 : index
    %swap3A_132 = tpu.vector_load %arg5[%swap3A_130, %swap3A_131] {strides = array<i32>} : memref<50x128xi32, #tpu.memory_space<vmem>>, vector<16xi32>,
    tpu.vector_store %arg5[%swap3A_130, %swap3A_131], %add3A_128 {strides = array<i32>} : memref<50x128xi32, #tpu.memory_space<vmem>>, vector<16xi32>,
    %get3A_133 = arith.constant 1 : i32
    %get3A_134 = arith.index_cast %get3A_133 : i32 to index
    %get3A_135 = arith.constant 48 : index
    %get3A_136 = tpu.vector_load %arg5[%get3A_134, %get3A_135] {strides = array<i32>} : memref<50x128xi32, #tpu.memory_space<vmem>>, vector<16xi32>,
    %add3A_137 = arith.constant 1 : i32
    %add3A_138 = vector.broadcast %add3A_137 : i32 to vector<16xi32>
    %add3A_139 = arith.addi %get3A_136, %add3A_138 : vector<16xi32>
    %swap3A_140 = arith.constant 1 : i32
    %swap3A_141 = arith.index_cast %swap3A_140 : i32 to index
    %swap3A_142 = arith.constant 48 : index
    %swap3A_143 = tpu.vector_load %arg5[%swap3A_141, %swap3A_142] {strides = array<i32>} : memref<50x128xi32, #tpu.memory_space<vmem>>, vector<16xi32>,
    tpu.vector_store %arg5[%swap3A_141, %swap3A_142], %add3A_139 {strides = array<i32>} : memref<50x128xi32, #tpu.memory_space<vmem>>, vector<16xi32>,
    %get3A_144 = arith.constant 1 : i32
    %get3A_145 = arith.index_cast %get3A_144 : i32 to index
    %get3A_146 = arith.constant 64 : index
    %get3A_147 = tpu.vector_load %arg5[%get3A_145, %get3A_146] {strides = array<i32>} : memref<50x128xi32, #tpu.memory_space<vmem>>, vector<16xi32>,
    %add3A_148 = arith.constant 1 : i32
    %add3A_149 = vector.broadcast %add3A_148 : i32 to vector<16xi32>
    %add3A_150 = arith.addi %get3A_147, %add3A_149 : vector<16xi32>
    %swap3A_151 = arith.constant 1 : i32
    %swap3A_152 = arith.index_cast %swap3A_151 : i32 to index
    %swap3A_153 = arith.constant 64 : index
    %swap3A_154 = tpu.vector_load %arg5[%swap3A_152, %swap3A_153] {strides = array<i32>} : memref<50x128xi32, #tpu.memory_space<vmem>>, vector<16xi32>,
    tpu.vector_store %arg5[%swap3A_152, %swap3A_153], %add3A_150 {strides = array<i32>} : memref<50x128xi32, #tpu.memory_space<vmem>>, vector<16xi32>,
    %get3A_155 = arith.constant 1 : i32
    %get3A_156 = arith.index_cast %get3A_155 : i32 to index
    %get3A_157 = arith.constant 80 : index
    %get3A_158 = tpu.vector_load %arg5[%get3A_156, %get3A_157] {strides = array<i32>} : memref<50x128xi32, #tpu.memory_space<vmem>>, vector<16xi32>,
    %add3A_159 = arith.constant 1 : i32
    %add3A_160 = vector.broadcast %add3A_159 : i32 to vector<16xi32>
    %add3A_161 = arith.addi %get3A_158, %add3A_160 : vector<16xi32>
    %swap3A_162 = arith.constant 1 : i32
    %swap3A_163 = arith.index_cast %swap3A_162 : i32 to index
    %swap3A_164 = arith.constant 80 : index
    %swap3A_165 = tpu.vector_load %arg5[%swap3A_163, %swap3A_164] {strides = array<i32>} : memref<50x128xi32, #tpu.memory_space<vmem>>, vector<16xi32>,
    tpu.vector_store %arg5[%swap3A_163, %swap3A_164], %add3A_161 {strides = array<i32>} : memref<50x128xi32, #tpu.memory_space<vmem>>, vector<16xi32>,
    %get3A_166 = arith.constant 1 : i32
    %get3A_167 = arith.index_cast %get3A_166 : i32 to index
    %get3A_168 = arith.constant 96 : index
    %get3A_169 = tpu.vector_load %arg5[%get3A_167, %get3A_168] {strides = array<i32>} : memref<50x128xi32, #tpu.memory_space<vmem>>, vector<16xi32>,
    %add3A_170 = arith.constant 1 : i32
    %add3A_171 = vector.broadcast %add3A_170 : i32 to vector<16xi32>
    %add3A_172 = arith.addi %get3A_169, %add3A_171 : vector<16xi32>
    %swap3A_173 = arith.constant 1 : i32
    %swap3A_174 = arith.index_cast %swap3A_173 : i32 to index
    %swap3A_175 = arith.constant 96 : index
    %swap3A_176 = tpu.vector_load %arg5[%swap3A_174, %swap3A_175] {strides = array<i32>} : memref<50x128xi32, #tpu.memory_space<vmem>>, vector<16xi32>,
    tpu.vector_store %arg5[%swap3A_174, %swap3A_175], %add3A_172 {strides = array<i32>} : memref<50x128xi32, #tpu.memory_space<vmem>>, vector<16xi32>,
    %get3A_177 = arith.constant 1 : i32
    %get3A_178 = arith.index_cast %get3A_177 : i32 to index
    %get3A_179 = arith.constant 112 : index
    %get3A_180 = tpu.vector_load %arg5[%get3A_178, %get3A_179] {strides = array<i32>} : memref<50x128xi32, #tpu.memory_space<vmem>>, vector<16xi32>,
    %add3A_181 = arith.constant 1 : i32
    %add3A_182 = vector.broadcast %add3A_181 : i32 to vector<16xi32>
    %add3A_183 = arith.addi %get3A_180, %add3A_182 : vector<16xi32>
    %swap3A_184 = arith.constant 1 : i32
    %swap3A_185 = arith.index_cast %swap3A_184 : i32 to index
    %swap3A_186 = arith.constant 112 : index
    %swap3A_187 = tpu.vector_load %arg5[%swap3A_185, %swap3A_186] {strides = array<i32>} : memref<50x128xi32, #tpu.memory_space<vmem>>, vector<16xi32>,
    tpu.vector_store %arg5[%swap3A_185, %swap3A_186], %add3A_183 {strides = array<i32>} : memref<50x128xi32, #tpu.memory_space<vmem>>, vector<16xi32>,
    %dma_start3A_188 = arith.constant 1 : i32
    %dma_start3A_189 = arith.constant 1 : i32
    %dma_start3A_190 = arith.constant 0 : i32
    %dma_start3A_191 = arith.constant 0 : i32
    %dma_start3A_192 = tpu.memref_slice %arg6[%dma_start3A_189, %dma_start3A_190, %dma_start3A_191] : memref<2x128x32xf32, #tpu.memory_space<vmem>> -> memref<1x128x32xf32, #tpu.memory_space<vmem>>
    %dma_start3A_193 = tpu.memref_squeeze %dma_start3A_192 : memref<1x128x32xf32, #tpu.memory_space<vmem>> -> memref<128x32xf32, #tpu.memory_space<vmem>>
    %dma_start3A_194 = arith.constant 0 : i32
    %dma_start3A_195 = tpu.memref_slice %arg5[%dma_start3A_188, %dma_start3A_194] : memref<50x128xi32, #tpu.memory_space<vmem>> -> memref<1x128xi32, #tpu.memory_space<vmem>>
    %dma_start3A_196 = tpu.memref_squeeze %dma_start3A_195 : memref<1x128xi32, #tpu.memory_space<vmem>> -> memref<128xi32, #tpu.memory_space<vmem>>
    %dma_start3A_197 = arith.constant 0 : i32
    %dma_start3A_198 = arith.constant 0 : i32
    %dma_start3A_199 = tpu.memref_slice %arg3[%dma_start3A_197, %dma_start3A_198] : memref<1000001x32xf32, #tpu.memory_space<hbm>> -> memref<1000001x32xf32, #tpu.memory_space<hbm>>
    tpu.enqueue_indirect_dma source(%dma_start3A_199 : memref<1000001x32xf32, #tpu.memory_space<hbm>>) target(%dma_start3A_193 : memref<128x32xf32, #tpu.memory_space<vmem>>) offsets(%dma_start3A_196 : memref<128xi32, #tpu.memory_space<vmem>>) semaphore(%arg8 : memref<!tpu.dma_semaphore, #tpu.memory_space<semaphore_mem>>)
    %scan3A = arith.constant 0 : i32
    %scan3A_200 = arith.constant 0 : i32
    %scan3A_201 = arith.constant 25 : i32
    %scan3A_202 = arith.addi %scan3A_200, %scan3A_201 : i32
    %scan3A_203 = arith.constant 1 : i32
    scf.for %scan3A_236 = %scan3A_200 to %scan3A_202 step %scan3A_203  : i32 {
      %mul3A_237 = arith.constant 2 : i32
      %mul3A_238 = arith.muli %mul3A_237, %scan3A_236 : i32
      %dma_wait3A_239 = arith.constant 0 : i32
      %dma_wait3A_240 = arith.constant 0 : i32
      %dma_wait3A_241 = arith.constant 0 : i32
      %dma_wait3A_242 = tpu.memref_slice %arg6[%dma_wait3A_239, %dma_wait3A_240, %dma_wait3A_241] : memref<2x128x32xf32, #tpu.memory_space<vmem>> -> memref<1x128x32xf32, #tpu.memory_space<vmem>>
      %dma_wait3A_243 = tpu.memref_squeeze %dma_wait3A_242 : memref<1x128x32xf32, #tpu.memory_space<vmem>> -> memref<128x32xf32, #tpu.memory_space<vmem>>
      %dma_wait3A_244 = arith.constant 0 : i32
      %dma_wait3A_245 = arith.constant 0 : i32
      %dma_wait3A_246 = tpu.memref_slice %arg3[%dma_wait3A_244, %dma_wait3A_245] : memref<1000001x32xf32, #tpu.memory_space<hbm>> -> memref<128x32xf32, #tpu.memory_space<hbm>>
      %dma_wait3A_247 = arith.constant 0 : i32
      %dma_wait3A_248 = arith.constant 0 : i32
      %dma_wait3A_249 = tpu.memref_slice %arg6[%dma_wait3A_239, %dma_wait3A_247, %dma_wait3A_248] : memref<2x128x32xf32, #tpu.memory_space<vmem>> -> memref<1x128x32xf32, #tpu.memory_space<vmem>>
      %dma_wait3A_250 = tpu.memref_squeeze %dma_wait3A_249 : memref<1x128x32xf32, #tpu.memory_space<vmem>> -> memref<128x32xf32, #tpu.memory_space<vmem>>
      %dma_wait3A_251 = arith.constant 0 : i32
      %dma_wait3A_252 = arith.constant 0 : i32
      %dma_wait3A_253 = tpu.memref_slice %arg3[%dma_wait3A_251, %dma_wait3A_252] : memref<1000001x32xf32, #tpu.memory_space<hbm>> -> memref<128x32xf32, #tpu.memory_space<hbm>>
      tpu.wait_dma2 semaphore(%arg7 : memref<!tpu.dma_semaphore, #tpu.memory_space<semaphore_mem>>) src(%dma_wait3A_253 : memref<128x32xf32, #tpu.memory_space<hbm>>) dst(%dma_wait3A_250 : memref<128x32xf32, #tpu.memory_space<vmem>>)
      %dma_start3A_254 = arith.constant 0 : i32
      %dma_start3A_255 = arith.constant 0 : i32
      %dma_start3A_256 = arith.constant 0 : i32
      %dma_start3A_257 = tpu.memref_slice %arg6[%dma_start3A_254, %dma_start3A_255, %dma_start3A_256] : memref<2x128x32xf32, #tpu.memory_space<vmem>> -> memref<1x128x32xf32, #tpu.memory_space<vmem>>
      %dma_start3A_258 = tpu.memref_squeeze %dma_start3A_257 : memref<1x128x32xf32, #tpu.memory_space<vmem>> -> memref<128x32xf32, #tpu.memory_space<vmem>>
      %dma_start3A_259 = arith.constant 0 : i32
      %dma_start3A_260 = tpu.memref_slice %arg4[%mul3A_238, %mul3A_2, %dma_start3A_259] : memref<50x4096x32xf32, #tpu.memory_space<hbm>> -> memref<1x128x32xf32, #tpu.memory_space<hbm>>
      %dma_start3A_261 = tpu.memref_squeeze %dma_start3A_260 : memref<1x128x32xf32, #tpu.memory_space<hbm>> -> memref<128x32xf32, #tpu.memory_space<hbm>>
      %dma_start3A_262 = arith.constant 0 : i32
      %dma_start3A_263 = tpu.memref_slice %arg4[%mul3A_238, %mul3A_2, %dma_start3A_262] : memref<50x4096x32xf32, #tpu.memory_space<hbm>> -> memref<1x128x32xf32, #tpu.memory_space<hbm>>
      %dma_start3A_264 = tpu.memref_squeeze %dma_start3A_263 : memref<1x128x32xf32, #tpu.memory_space<hbm>> -> memref<128x32xf32, #tpu.memory_space<hbm>>
      %dma_start3A_265 = arith.constant 0 : i32
      %dma_start3A_266 = arith.constant 0 : i32
      %dma_start3A_267 = tpu.memref_slice %arg6[%dma_start3A_254, %dma_start3A_265, %dma_start3A_266] : memref<2x128x32xf32, #tpu.memory_space<vmem>> -> memref<1x128x32xf32, #tpu.memory_space<vmem>>
      %dma_start3A_268 = tpu.memref_squeeze %dma_start3A_267 : memref<1x128x32xf32, #tpu.memory_space<vmem>> -> memref<128x32xf32, #tpu.memory_space<vmem>>
      tpu.enqueue_dma source(%dma_start3A_268 : memref<128x32xf32, #tpu.memory_space<vmem>>) target(%dma_start3A_264 : memref<128x32xf32, #tpu.memory_space<hbm>>) target_semaphore(%arg9 : memref<!tpu.dma_semaphore, #tpu.memory_space<semaphore_mem>>)
      %lt3A = arith.constant 24 : i32
      %lt3A_269 = arith.cmpi slt, %scan3A_236, %lt3A : i32
      %convert_element_type3A = arith.extui %lt3A_269 : i1 to i32
      %cond3A = arith.constant 0 : i32
      %cond3A_270 = arith.cmpi ne, %convert_element_type3A, %cond3A : i32
      scf.if %cond3A_270 {
        %add3A_308 = arith.constant 2 : i32
        %add3A_309 = arith.addi %mul3A_238, %add3A_308 : i32
        %get3A_310 = arith.index_cast %add3A_309 : i32 to index
        %get3A_311 = arith.constant 0 : index
        %get3A_312 = tpu.vector_load %arg5[%get3A_310, %get3A_311] {strides = array<i32>} : memref<50x128xi32, #tpu.memory_space<vmem>>, vector<16xi32>,
        %add3A_313 = arith.constant 1 : i32
        %add3A_314 = vector.broadcast %add3A_313 : i32 to vector<16xi32>
        %add3A_315 = arith.addi %get3A_312, %add3A_314 : vector<16xi32>
        %swap3A_316 = arith.index_cast %add3A_309 : i32 to index
        %swap3A_317 = arith.constant 0 : index
        %swap3A_318 = tpu.vector_load %arg5[%swap3A_316, %swap3A_317] {strides = array<i32>} : memref<50x128xi32, #tpu.memory_space<vmem>>, vector<16xi32>,
        tpu.vector_store %arg5[%swap3A_316, %swap3A_317], %add3A_315 {strides = array<i32>} : memref<50x128xi32, #tpu.memory_space<vmem>>, vector<16xi32>,
        %get3A_319 = arith.index_cast %add3A_309 : i32 to index
        %get3A_320 = arith.constant 16 : index
        %get3A_321 = tpu.vector_load %arg5[%get3A_319, %get3A_320] {strides = array<i32>} : memref<50x128xi32, #tpu.memory_space<vmem>>, vector<16xi32>,
        %add3A_322 = arith.constant 1 : i32
        %add3A_323 = vector.broadcast %add3A_322 : i32 to vector<16xi32>
        %add3A_324 = arith.addi %get3A_321, %add3A_323 : vector<16xi32>
        %swap3A_325 = arith.index_cast %add3A_309 : i32 to index
        %swap3A_326 = arith.constant 16 : index
        %swap3A_327 = tpu.vector_load %arg5[%swap3A_325, %swap3A_326] {strides = array<i32>} : memref<50x128xi32, #tpu.memory_space<vmem>>, vector<16xi32>,
        tpu.vector_store %arg5[%swap3A_325, %swap3A_326], %add3A_324 {strides = array<i32>} : memref<50x128xi32, #tpu.memory_space<vmem>>, vector<16xi32>,
        %get3A_328 = arith.index_cast %add3A_309 : i32 to index
        %get3A_329 = arith.constant 32 : index
        %get3A_330 = tpu.vector_load %arg5[%get3A_328, %get3A_329] {strides = array<i32>} : memref<50x128xi32, #tpu.memory_space<vmem>>, vector<16xi32>,
        %add3A_331 = arith.constant 1 : i32
        %add3A_332 = vector.broadcast %add3A_331 : i32 to vector<16xi32>
        %add3A_333 = arith.addi %get3A_330, %add3A_332 : vector<16xi32>
        %swap3A_334 = arith.index_cast %add3A_309 : i32 to index
        %swap3A_335 = arith.constant 32 : index
        %swap3A_336 = tpu.vector_load %arg5[%swap3A_334, %swap3A_335] {strides = array<i32>} : memref<50x128xi32, #tpu.memory_space<vmem>>, vector<16xi32>,
        tpu.vector_store %arg5[%swap3A_334, %swap3A_335], %add3A_333 {strides = array<i32>} : memref<50x128xi32, #tpu.memory_space<vmem>>, vector<16xi32>,
        %get3A_337 = arith.index_cast %add3A_309 : i32 to index
        %get3A_338 = arith.constant 48 : index
        %get3A_339 = tpu.vector_load %arg5[%get3A_337, %get3A_338] {strides = array<i32>} : memref<50x128xi32, #tpu.memory_space<vmem>>, vector<16xi32>,
        %add3A_340 = arith.constant 1 : i32
        %add3A_341 = vector.broadcast %add3A_340 : i32 to vector<16xi32>
        %add3A_342 = arith.addi %get3A_339, %add3A_341 : vector<16xi32>
        %swap3A_343 = arith.index_cast %add3A_309 : i32 to index
        %swap3A_344 = arith.constant 48 : index
        %swap3A_345 = tpu.vector_load %arg5[%swap3A_343, %swap3A_344] {strides = array<i32>} : memref<50x128xi32, #tpu.memory_space<vmem>>, vector<16xi32>,
        tpu.vector_store %arg5[%swap3A_343, %swap3A_344], %add3A_342 {strides = array<i32>} : memref<50x128xi32, #tpu.memory_space<vmem>>, vector<16xi32>,
        %get3A_346 = arith.index_cast %add3A_309 : i32 to index
        %get3A_347 = arith.constant 64 : index
        %get3A_348 = tpu.vector_load %arg5[%get3A_346, %get3A_347] {strides = array<i32>} : memref<50x128xi32, #tpu.memory_space<vmem>>, vector<16xi32>,
        %add3A_349 = arith.constant 1 : i32
        %add3A_350 = vector.broadcast %add3A_349 : i32 to vector<16xi32>
        %add3A_351 = arith.addi %get3A_348, %add3A_350 : vector<16xi32>
        %swap3A_352 = arith.index_cast %add3A_309 : i32 to index
        %swap3A_353 = arith.constant 64 : index
        %swap3A_354 = tpu.vector_load %arg5[%swap3A_352, %swap3A_353] {strides = array<i32>} : memref<50x128xi32, #tpu.memory_space<vmem>>, vector<16xi32>,
        tpu.vector_store %arg5[%swap3A_352, %swap3A_353], %add3A_351 {strides = array<i32>} : memref<50x128xi32, #tpu.memory_space<vmem>>, vector<16xi32>,
        %get3A_355 = arith.index_cast %add3A_309 : i32 to index
        %get3A_356 = arith.constant 80 : index
        %get3A_357 = tpu.vector_load %arg5[%get3A_355, %get3A_356] {strides = array<i32>} : memref<50x128xi32, #tpu.memory_space<vmem>>, vector<16xi32>,
        %add3A_358 = arith.constant 1 : i32
        %add3A_359 = vector.broadcast %add3A_358 : i32 to vector<16xi32>
        %add3A_360 = arith.addi %get3A_357, %add3A_359 : vector<16xi32>
        %swap3A_361 = arith.index_cast %add3A_309 : i32 to index
        %swap3A_362 = arith.constant 80 : index
        %swap3A_363 = tpu.vector_load %arg5[%swap3A_361, %swap3A_362] {strides = array<i32>} : memref<50x128xi32, #tpu.memory_space<vmem>>, vector<16xi32>,
        tpu.vector_store %arg5[%swap3A_361, %swap3A_362], %add3A_360 {strides = array<i32>} : memref<50x128xi32, #tpu.memory_space<vmem>>, vector<16xi32>,
        %get3A_364 = arith.index_cast %add3A_309 : i32 to index
        %get3A_365 = arith.constant 96 : index
        %get3A_366 = tpu.vector_load %arg5[%get3A_364, %get3A_365] {strides = array<i32>} : memref<50x128xi32, #tpu.memory_space<vmem>>, vector<16xi32>,
        %add3A_367 = arith.constant 1 : i32
        %add3A_368 = vector.broadcast %add3A_367 : i32 to vector<16xi32>
        %add3A_369 = arith.addi %get3A_366, %add3A_368 : vector<16xi32>
        %swap3A_370 = arith.index_cast %add3A_309 : i32 to index
        %swap3A_371 = arith.constant 96 : index
        %swap3A_372 = tpu.vector_load %arg5[%swap3A_370, %swap3A_371] {strides = array<i32>} : memref<50x128xi32, #tpu.memory_space<vmem>>, vector<16xi32>,
        tpu.vector_store %arg5[%swap3A_370, %swap3A_371], %add3A_369 {strides = array<i32>} : memref<50x128xi32, #tpu.memory_space<vmem>>, vector<16xi32>,
        %get3A_373 = arith.index_cast %add3A_309 : i32 to index
        %get3A_374 = arith.constant 112 : index
        %get3A_375 = tpu.vector_load %arg5[%get3A_373, %get3A_374] {strides = array<i32>} : memref<50x128xi32, #tpu.memory_space<vmem>>, vector<16xi32>,
        %add3A_376 = arith.constant 1 : i32
        %add3A_377 = vector.broadcast %add3A_376 : i32 to vector<16xi32>
        %add3A_378 = arith.addi %get3A_375, %add3A_377 : vector<16xi32>
        %swap3A_379 = arith.index_cast %add3A_309 : i32 to index
        %swap3A_380 = arith.constant 112 : index
        %swap3A_381 = tpu.vector_load %arg5[%swap3A_379, %swap3A_380] {strides = array<i32>} : memref<50x128xi32, #tpu.memory_space<vmem>>, vector<16xi32>,
        tpu.vector_store %arg5[%swap3A_379, %swap3A_380], %add3A_378 {strides = array<i32>} : memref<50x128xi32, #tpu.memory_space<vmem>>, vector<16xi32>,
        %dma_wait3A_382 = arith.constant 0 : i32
        %dma_wait3A_383 = arith.constant 0 : i32
        %dma_wait3A_384 = arith.constant 0 : i32
        %dma_wait3A_385 = arith.constant 0 : i32
        %dma_wait3A_386 = tpu.memref_slice %arg6[%dma_wait3A_382, %dma_wait3A_384, %dma_wait3A_385] : memref<2x128x32xf32, #tpu.memory_space<vmem>> -> memref<1x128x32xf32, #tpu.memory_space<vmem>>
        %dma_wait3A_387 = tpu.memref_squeeze %dma_wait3A_386 : memref<1x128x32xf32, #tpu.memory_space<vmem>> -> memref<128x32xf32, #tpu.memory_space<vmem>>
        %dma_wait3A_388 = arith.constant 0 : i32
        %dma_wait3A_389 = tpu.memref_slice %arg4[%dma_wait3A_383, %mul3A_2, %dma_wait3A_388] : memref<50x4096x32xf32, #tpu.memory_space<hbm>> -> memref<1x128x32xf32, #tpu.memory_space<hbm>>
        %dma_wait3A_390 = tpu.memref_squeeze %dma_wait3A_389 : memref<1x128x32xf32, #tpu.memory_space<hbm>> -> memref<128x32xf32, #tpu.memory_space<hbm>>
        %dma_wait3A_391 = arith.constant 0 : i32
        %dma_wait3A_392 = tpu.memref_slice %arg4[%dma_wait3A_383, %mul3A_2, %dma_wait3A_391] : memref<50x4096x32xf32, #tpu.memory_space<hbm>> -> memref<1x128x32xf32, #tpu.memory_space<hbm>>
        %dma_wait3A_393 = tpu.memref_squeeze %dma_wait3A_392 : memref<1x128x32xf32, #tpu.memory_space<hbm>> -> memref<128x32xf32, #tpu.memory_space<hbm>>
        %dma_wait3A_394 = arith.constant 0 : i32
        %dma_wait3A_395 = arith.constant 0 : i32
        %dma_wait3A_396 = tpu.memref_slice %arg6[%dma_wait3A_382, %dma_wait3A_394, %dma_wait3A_395] : memref<2x128x32xf32, #tpu.memory_space<vmem>> -> memref<1x128x32xf32, #tpu.memory_space<vmem>>
        %dma_wait3A_397 = tpu.memref_squeeze %dma_wait3A_396 : memref<1x128x32xf32, #tpu.memory_space<vmem>> -> memref<128x32xf32, #tpu.memory_space<vmem>>
        tpu.wait_dma2 semaphore(%arg9 : memref<!tpu.dma_semaphore, #tpu.memory_space<semaphore_mem>>) src(%dma_wait3A_397 : memref<128x32xf32, #tpu.memory_space<vmem>>) dst(%dma_wait3A_393 : memref<128x32xf32, #tpu.memory_space<hbm>>)
        %add3A_398 = arith.constant 2 : i32
        %add3A_399 = arith.addi %mul3A_238, %add3A_398 : i32
        %dma_start3A_400 = arith.constant 0 : i32
        %dma_start3A_401 = arith.constant 0 : i32
        %dma_start3A_402 = arith.constant 0 : i32
        %dma_start3A_403 = tpu.memref_slice %arg6[%dma_start3A_400, %dma_start3A_401, %dma_start3A_402] : memref<2x128x32xf32, #tpu.memory_space<vmem>> -> memref<1x128x32xf32, #tpu.memory_space<vmem>>
        %dma_start3A_404 = tpu.memref_squeeze %dma_start3A_403 : memref<1x128x32xf32, #tpu.memory_space<vmem>> -> memref<128x32xf32, #tpu.memory_space<vmem>>
        %dma_start3A_405 = arith.constant 0 : i32
        %dma_start3A_406 = tpu.memref_slice %arg5[%add3A_399, %dma_start3A_405] : memref<50x128xi32, #tpu.memory_space<vmem>> -> memref<1x128xi32, #tpu.memory_space<vmem>>
        %dma_start3A_407 = tpu.memref_squeeze %dma_start3A_406 : memref<1x128xi32, #tpu.memory_space<vmem>> -> memref<128xi32, #tpu.memory_space<vmem>>
        %dma_start3A_408 = arith.constant 0 : i32
        %dma_start3A_409 = arith.constant 0 : i32
        %dma_start3A_410 = tpu.memref_slice %arg3[%dma_start3A_408, %dma_start3A_409] : memref<1000001x32xf32, #tpu.memory_space<hbm>> -> memref<1000001x32xf32, #tpu.memory_space<hbm>>
        tpu.enqueue_indirect_dma source(%dma_start3A_410 : memref<1000001x32xf32, #tpu.memory_space<hbm>>) target(%dma_start3A_404 : memref<128x32xf32, #tpu.memory_space<vmem>>) offsets(%dma_start3A_407 : memref<128xi32, #tpu.memory_space<vmem>>) semaphore(%arg7 : memref<!tpu.dma_semaphore, #tpu.memory_space<semaphore_mem>>)
      } else {
      }
      %dma_wait3A_271 = arith.constant 1 : i32
      %dma_wait3A_272 = arith.constant 0 : i32
      %dma_wait3A_273 = arith.constant 0 : i32
      %dma_wait3A_274 = tpu.memref_slice %arg6[%dma_wait3A_271, %dma_wait3A_272, %dma_wait3A_273] : memref<2x128x32xf32, #tpu.memory_space<vmem>> -> memref<1x128x32xf32, #tpu.memory_space<vmem>>
      %dma_wait3A_275 = tpu.memref_squeeze %dma_wait3A_274 : memref<1x128x32xf32, #tpu.memory_space<vmem>> -> memref<128x32xf32, #tpu.memory_space<vmem>>
      %dma_wait3A_276 = arith.constant 0 : i32
      %dma_wait3A_277 = arith.constant 0 : i32
      %dma_wait3A_278 = tpu.memref_slice %arg3[%dma_wait3A_276, %dma_wait3A_277] : memref<1000001x32xf32, #tpu.memory_space<hbm>> -> memref<128x32xf32, #tpu.memory_space<hbm>>
      %dma_wait3A_279 = arith.constant 0 : i32
      %dma_wait3A_280 = arith.constant 0 : i32
      %dma_wait3A_281 = tpu.memref_slice %arg6[%dma_wait3A_271, %dma_wait3A_279, %dma_wait3A_280] : memref<2x128x32xf32, #tpu.memory_space<vmem>> -> memref<1x128x32xf32, #tpu.memory_space<vmem>>
      %dma_wait3A_282 = tpu.memref_squeeze %dma_wait3A_281 : memref<1x128x32xf32, #tpu.memory_space<vmem>> -> memref<128x32xf32, #tpu.memory_space<vmem>>
      %dma_wait3A_283 = arith.constant 0 : i32
      %dma_wait3A_284 = arith.constant 0 : i32
      %dma_wait3A_285 = tpu.memref_slice %arg3[%dma_wait3A_283, %dma_wait3A_284] : memref<1000001x32xf32, #tpu.memory_space<hbm>> -> memref<128x32xf32, #tpu.memory_space<hbm>>
      tpu.wait_dma2 semaphore(%arg8 : memref<!tpu.dma_semaphore, #tpu.memory_space<semaphore_mem>>) src(%dma_wait3A_285 : memref<128x32xf32, #tpu.memory_space<hbm>>) dst(%dma_wait3A_282 : memref<128x32xf32, #tpu.memory_space<vmem>>)
      %add3A_286 = arith.constant 1 : i32
      %add3A_287 = arith.addi %mul3A_238, %add3A_286 : i32
      %dma_start3A_288 = arith.constant 1 : i32
      %dma_start3A_289 = arith.constant 0 : i32
      %dma_start3A_290 = arith.constant 0 : i32
      %dma_start3A_291 = tpu.memref_slice %arg6[%dma_start3A_288, %dma_start3A_289, %dma_start3A_290] : memref<2x128x32xf32, #tpu.memory_space<vmem>> -> memref<1x128x32xf32, #tpu.memory_space<vmem>>
      %dma_start3A_292 = tpu.memref_squeeze %dma_start3A_291 : memref<1x128x32xf32, #tpu.memory_space<vmem>> -> memref<128x32xf32, #tpu.memory_space<vmem>>
      %dma_start3A_293 = arith.constant 0 : i32
      %dma_start3A_294 = tpu.memref_slice %arg4[%add3A_287, %mul3A_2, %dma_start3A_293] : memref<50x4096x32xf32, #tpu.memory_space<hbm>> -> memref<1x128x32xf32, #tpu.memory_space<hbm>>
      %dma_start3A_295 = tpu.memref_squeeze %dma_start3A_294 : memref<1x128x32xf32, #tpu.memory_space<hbm>> -> memref<128x32xf32, #tpu.memory_space<hbm>>
      %dma_start3A_296 = arith.constant 0 : i32
      %dma_start3A_297 = tpu.memref_slice %arg4[%add3A_287, %mul3A_2, %dma_start3A_296] : memref<50x4096x32xf32, #tpu.memory_space<hbm>> -> memref<1x128x32xf32, #tpu.memory_space<hbm>>
      %dma_start3A_298 = tpu.memref_squeeze %dma_start3A_297 : memref<1x128x32xf32, #tpu.memory_space<hbm>> -> memref<128x32xf32, #tpu.memory_space<hbm>>
      %dma_start3A_299 = arith.constant 0 : i32
      %dma_start3A_300 = arith.constant 0 : i32
      %dma_start3A_301 = tpu.memref_slice %arg6[%dma_start3A_288, %dma_start3A_299, %dma_start3A_300] : memref<2x128x32xf32, #tpu.memory_space<vmem>> -> memref<1x128x32xf32, #tpu.memory_space<vmem>>
      %dma_start3A_302 = tpu.memref_squeeze %dma_start3A_301 : memref<1x128x32xf32, #tpu.memory_space<vmem>> -> memref<128x32xf32, #tpu.memory_space<vmem>>
      tpu.enqueue_dma source(%dma_start3A_302 : memref<128x32xf32, #tpu.memory_space<vmem>>) target(%dma_start3A_298 : memref<128x32xf32, #tpu.memory_space<hbm>>) target_semaphore(%arg10 : memref<!tpu.dma_semaphore, #tpu.memory_space<semaphore_mem>>)
      %lt3A_303 = arith.constant 24 : i32
      %lt3A_304 = arith.cmpi slt, %scan3A_236, %lt3A_303 : i32
      %convert_element_type3A_305 = arith.extui %lt3A_304 : i1 to i32
      %cond3A_306 = arith.constant 0 : i32
      %cond3A_307 = arith.cmpi ne, %convert_element_type3A_305, %cond3A_306 : i32
      scf.if %cond3A_307 {
        %add3A_308 = arith.constant 3 : i32
        %add3A_309 = arith.addi %mul3A_238, %add3A_308 : i32
        %get3A_310 = arith.index_cast %add3A_309 : i32 to index
        %get3A_311 = arith.constant 0 : index
        %get3A_312 = tpu.vector_load %arg5[%get3A_310, %get3A_311] {strides = array<i32>} : memref<50x128xi32, #tpu.memory_space<vmem>>, vector<16xi32>,
        %add3A_313 = arith.constant 1 : i32
        %add3A_314 = vector.broadcast %add3A_313 : i32 to vector<16xi32>
        %add3A_315 = arith.addi %get3A_312, %add3A_314 : vector<16xi32>
        %swap3A_316 = arith.index_cast %add3A_309 : i32 to index
        %swap3A_317 = arith.constant 0 : index
        %swap3A_318 = tpu.vector_load %arg5[%swap3A_316, %swap3A_317] {strides = array<i32>} : memref<50x128xi32, #tpu.memory_space<vmem>>, vector<16xi32>,
        tpu.vector_store %arg5[%swap3A_316, %swap3A_317], %add3A_315 {strides = array<i32>} : memref<50x128xi32, #tpu.memory_space<vmem>>, vector<16xi32>,
        %get3A_319 = arith.index_cast %add3A_309 : i32 to index
        %get3A_320 = arith.constant 16 : index
        %get3A_321 = tpu.vector_load %arg5[%get3A_319, %get3A_320] {strides = array<i32>} : memref<50x128xi32, #tpu.memory_space<vmem>>, vector<16xi32>,
        %add3A_322 = arith.constant 1 : i32
        %add3A_323 = vector.broadcast %add3A_322 : i32 to vector<16xi32>
        %add3A_324 = arith.addi %get3A_321, %add3A_323 : vector<16xi32>
        %swap3A_325 = arith.index_cast %add3A_309 : i32 to index
        %swap3A_326 = arith.constant 16 : index
        %swap3A_327 = tpu.vector_load %arg5[%swap3A_325, %swap3A_326] {strides = array<i32>} : memref<50x128xi32, #tpu.memory_space<vmem>>, vector<16xi32>,
        tpu.vector_store %arg5[%swap3A_325, %swap3A_326], %add3A_324 {strides = array<i32>} : memref<50x128xi32, #tpu.memory_space<vmem>>, vector<16xi32>,
        %get3A_328 = arith.index_cast %add3A_309 : i32 to index
        %get3A_329 = arith.constant 32 : index
        %get3A_330 = tpu.vector_load %arg5[%get3A_328, %get3A_329] {strides = array<i32>} : memref<50x128xi32, #tpu.memory_space<vmem>>, vector<16xi32>,
        %add3A_331 = arith.constant 1 : i32
        %add3A_332 = vector.broadcast %add3A_331 : i32 to vector<16xi32>
        %add3A_333 = arith.addi %get3A_330, %add3A_332 : vector<16xi32>
        %swap3A_334 = arith.index_cast %add3A_309 : i32 to index
        %swap3A_335 = arith.constant 32 : index
        %swap3A_336 = tpu.vector_load %arg5[%swap3A_334, %swap3A_335] {strides = array<i32>} : memref<50x128xi32, #tpu.memory_space<vmem>>, vector<16xi32>,
        tpu.vector_store %arg5[%swap3A_334, %swap3A_335], %add3A_333 {strides = array<i32>} : memref<50x128xi32, #tpu.memory_space<vmem>>, vector<16xi32>,
        %get3A_337 = arith.index_cast %add3A_309 : i32 to index
        %get3A_338 = arith.constant 48 : index
        %get3A_339 = tpu.vector_load %arg5[%get3A_337, %get3A_338] {strides = array<i32>} : memref<50x128xi32, #tpu.memory_space<vmem>>, vector<16xi32>,
        %add3A_340 = arith.constant 1 : i32
        %add3A_341 = vector.broadcast %add3A_340 : i32 to vector<16xi32>
        %add3A_342 = arith.addi %get3A_339, %add3A_341 : vector<16xi32>
        %swap3A_343 = arith.index_cast %add3A_309 : i32 to index
        %swap3A_344 = arith.constant 48 : index
        %swap3A_345 = tpu.vector_load %arg5[%swap3A_343, %swap3A_344] {strides = array<i32>} : memref<50x128xi32, #tpu.memory_space<vmem>>, vector<16xi32>,
        tpu.vector_store %arg5[%swap3A_343, %swap3A_344], %add3A_342 {strides = array<i32>} : memref<50x128xi32, #tpu.memory_space<vmem>>, vector<16xi32>,
        %get3A_346 = arith.index_cast %add3A_309 : i32 to index
        %get3A_347 = arith.constant 64 : index
        %get3A_348 = tpu.vector_load %arg5[%get3A_346, %get3A_347] {strides = array<i32>} : memref<50x128xi32, #tpu.memory_space<vmem>>, vector<16xi32>,
        %add3A_349 = arith.constant 1 : i32
        %add3A_350 = vector.broadcast %add3A_349 : i32 to vector<16xi32>
        %add3A_351 = arith.addi %get3A_348, %add3A_350 : vector<16xi32>
        %swap3A_352 = arith.index_cast %add3A_309 : i32 to index
        %swap3A_353 = arith.constant 64 : index
        %swap3A_354 = tpu.vector_load %arg5[%swap3A_352, %swap3A_353] {strides = array<i32>} : memref<50x128xi32, #tpu.memory_space<vmem>>, vector<16xi32>,
        tpu.vector_store %arg5[%swap3A_352, %swap3A_353], %add3A_351 {strides = array<i32>} : memref<50x128xi32, #tpu.memory_space<vmem>>, vector<16xi32>,
        %get3A_355 = arith.index_cast %add3A_309 : i32 to index
        %get3A_356 = arith.constant 80 : index
        %get3A_357 = tpu.vector_load %arg5[%get3A_355, %get3A_356] {strides = array<i32>} : memref<50x128xi32, #tpu.memory_space<vmem>>, vector<16xi32>,
        %add3A_358 = arith.constant 1 : i32
        %add3A_359 = vector.broadcast %add3A_358 : i32 to vector<16xi32>
        %add3A_360 = arith.addi %get3A_357, %add3A_359 : vector<16xi32>
        %swap3A_361 = arith.index_cast %add3A_309 : i32 to index
        %swap3A_362 = arith.constant 80 : index
        %swap3A_363 = tpu.vector_load %arg5[%swap3A_361, %swap3A_362] {strides = array<i32>} : memref<50x128xi32, #tpu.memory_space<vmem>>, vector<16xi32>,
        tpu.vector_store %arg5[%swap3A_361, %swap3A_362], %add3A_360 {strides = array<i32>} : memref<50x128xi32, #tpu.memory_space<vmem>>, vector<16xi32>,
        %get3A_364 = arith.index_cast %add3A_309 : i32 to index
        %get3A_365 = arith.constant 96 : index
        %get3A_366 = tpu.vector_load %arg5[%get3A_364, %get3A_365] {strides = array<i32>} : memref<50x128xi32, #tpu.memory_space<vmem>>, vector<16xi32>,
        %add3A_367 = arith.constant 1 : i32
        %add3A_368 = vector.broadcast %add3A_367 : i32 to vector<16xi32>
        %add3A_369 = arith.addi %get3A_366, %add3A_368 : vector<16xi32>
        %swap3A_370 = arith.index_cast %add3A_309 : i32 to index
        %swap3A_371 = arith.constant 96 : index
        %swap3A_372 = tpu.vector_load %arg5[%swap3A_370, %swap3A_371] {strides = array<i32>} : memref<50x128xi32, #tpu.memory_space<vmem>>, vector<16xi32>,
        tpu.vector_store %arg5[%swap3A_370, %swap3A_371], %add3A_369 {strides = array<i32>} : memref<50x128xi32, #tpu.memory_space<vmem>>, vector<16xi32>,
        %get3A_373 = arith.index_cast %add3A_309 : i32 to index
        %get3A_374 = arith.constant 112 : index
        %get3A_375 = tpu.vector_load %arg5[%get3A_373, %get3A_374] {strides = array<i32>} : memref<50x128xi32, #tpu.memory_space<vmem>>, vector<16xi32>,
        %add3A_376 = arith.constant 1 : i32
        %add3A_377 = vector.broadcast %add3A_376 : i32 to vector<16xi32>
        %add3A_378 = arith.addi %get3A_375, %add3A_377 : vector<16xi32>
        %swap3A_379 = arith.index_cast %add3A_309 : i32 to index
        %swap3A_380 = arith.constant 112 : index
        %swap3A_381 = tpu.vector_load %arg5[%swap3A_379, %swap3A_380] {strides = array<i32>} : memref<50x128xi32, #tpu.memory_space<vmem>>, vector<16xi32>,
        tpu.vector_store %arg5[%swap3A_379, %swap3A_380], %add3A_378 {strides = array<i32>} : memref<50x128xi32, #tpu.memory_space<vmem>>, vector<16xi32>,
        %dma_wait3A_382 = arith.constant 1 : i32
        %dma_wait3A_383 = arith.constant 0 : i32
        %dma_wait3A_384 = arith.constant 0 : i32
        %dma_wait3A_385 = arith.constant 0 : i32
        %dma_wait3A_386 = tpu.memref_slice %arg6[%dma_wait3A_382, %dma_wait3A_384, %dma_wait3A_385] : memref<2x128x32xf32, #tpu.memory_space<vmem>> -> memref<1x128x32xf32, #tpu.memory_space<vmem>>
        %dma_wait3A_387 = tpu.memref_squeeze %dma_wait3A_386 : memref<1x128x32xf32, #tpu.memory_space<vmem>> -> memref<128x32xf32, #tpu.memory_space<vmem>>
        %dma_wait3A_388 = arith.constant 0 : i32
        %dma_wait3A_389 = tpu.memref_slice %arg4[%dma_wait3A_383, %mul3A_2, %dma_wait3A_388] : memref<50x4096x32xf32, #tpu.memory_space<hbm>> -> memref<1x128x32xf32, #tpu.memory_space<hbm>>
        %dma_wait3A_390 = tpu.memref_squeeze %dma_wait3A_389 : memref<1x128x32xf32, #tpu.memory_space<hbm>> -> memref<128x32xf32, #tpu.memory_space<hbm>>
        %dma_wait3A_391 = arith.constant 0 : i32
        %dma_wait3A_392 = tpu.memref_slice %arg4[%dma_wait3A_383, %mul3A_2, %dma_wait3A_391] : memref<50x4096x32xf32, #tpu.memory_space<hbm>> -> memref<1x128x32xf32, #tpu.memory_space<hbm>>
        %dma_wait3A_393 = tpu.memref_squeeze %dma_wait3A_392 : memref<1x128x32xf32, #tpu.memory_space<hbm>> -> memref<128x32xf32, #tpu.memory_space<hbm>>
        %dma_wait3A_394 = arith.constant 0 : i32
        %dma_wait3A_395 = arith.constant 0 : i32
        %dma_wait3A_396 = tpu.memref_slice %arg6[%dma_wait3A_382, %dma_wait3A_394, %dma_wait3A_395] : memref<2x128x32xf32, #tpu.memory_space<vmem>> -> memref<1x128x32xf32, #tpu.memory_space<vmem>>
        %dma_wait3A_397 = tpu.memref_squeeze %dma_wait3A_396 : memref<1x128x32xf32, #tpu.memory_space<vmem>> -> memref<128x32xf32, #tpu.memory_space<vmem>>
        tpu.wait_dma2 semaphore(%arg10 : memref<!tpu.dma_semaphore, #tpu.memory_space<semaphore_mem>>) src(%dma_wait3A_397 : memref<128x32xf32, #tpu.memory_space<vmem>>) dst(%dma_wait3A_393 : memref<128x32xf32, #tpu.memory_space<hbm>>)
        %add3A_398 = arith.constant 3 : i32
        %add3A_399 = arith.addi %mul3A_238, %add3A_398 : i32
        %dma_start3A_400 = arith.constant 1 : i32
        %dma_start3A_401 = arith.constant 0 : i32
        %dma_start3A_402 = arith.constant 0 : i32
        %dma_start3A_403 = tpu.memref_slice %arg6[%dma_start3A_400, %dma_start3A_401, %dma_start3A_402] : memref<2x128x32xf32, #tpu.memory_space<vmem>> -> memref<1x128x32xf32, #tpu.memory_space<vmem>>
        %dma_start3A_404 = tpu.memref_squeeze %dma_start3A_403 : memref<1x128x32xf32, #tpu.memory_space<vmem>> -> memref<128x32xf32, #tpu.memory_space<vmem>>
        %dma_start3A_405 = arith.constant 0 : i32
        %dma_start3A_406 = tpu.memref_slice %arg5[%add3A_399, %dma_start3A_405] : memref<50x128xi32, #tpu.memory_space<vmem>> -> memref<1x128xi32, #tpu.memory_space<vmem>>
        %dma_start3A_407 = tpu.memref_squeeze %dma_start3A_406 : memref<1x128xi32, #tpu.memory_space<vmem>> -> memref<128xi32, #tpu.memory_space<vmem>>
        %dma_start3A_408 = arith.constant 0 : i32
        %dma_start3A_409 = arith.constant 0 : i32
        %dma_start3A_410 = tpu.memref_slice %arg3[%dma_start3A_408, %dma_start3A_409] : memref<1000001x32xf32, #tpu.memory_space<hbm>> -> memref<1000001x32xf32, #tpu.memory_space<hbm>>
        tpu.enqueue_indirect_dma source(%dma_start3A_410 : memref<1000001x32xf32, #tpu.memory_space<hbm>>) target(%dma_start3A_404 : memref<128x32xf32, #tpu.memory_space<vmem>>) offsets(%dma_start3A_407 : memref<128xi32, #tpu.memory_space<vmem>>) semaphore(%arg8 : memref<!tpu.dma_semaphore, #tpu.memory_space<semaphore_mem>>)
      } else {
      }
    }
    %scan3A_204 = arith.constant 25 : i32
    %dma_wait3A = arith.constant 0 : i32
    %dma_wait3A_205 = arith.constant 0 : i32
    %dma_wait3A_206 = arith.constant 0 : i32
    %dma_wait3A_207 = arith.constant 0 : i32
    %dma_wait3A_208 = tpu.memref_slice %arg6[%dma_wait3A, %dma_wait3A_206, %dma_wait3A_207] : memref<2x128x32xf32, #tpu.memory_space<vmem>> -> memref<1x128x32xf32, #tpu.memory_space<vmem>>
    %dma_wait3A_209 = tpu.memref_squeeze %dma_wait3A_208 : memref<1x128x32xf32, #tpu.memory_space<vmem>> -> memref<128x32xf32, #tpu.memory_space<vmem>>
    %dma_wait3A_210 = arith.constant 0 : i32
    %dma_wait3A_211 = tpu.memref_slice %arg4[%dma_wait3A_205, %mul3A_2, %dma_wait3A_210] : memref<50x4096x32xf32, #tpu.memory_space<hbm>> -> memref<1x128x32xf32, #tpu.memory_space<hbm>>
    %dma_wait3A_212 = tpu.memref_squeeze %dma_wait3A_211 : memref<1x128x32xf32, #tpu.memory_space<hbm>> -> memref<128x32xf32, #tpu.memory_space<hbm>>
    %dma_wait3A_213 = arith.constant 0 : i32
    %dma_wait3A_214 = tpu.memref_slice %arg4[%dma_wait3A_205, %mul3A_2, %dma_wait3A_213] : memref<50x4096x32xf32, #tpu.memory_space<hbm>> -> memref<1x128x32xf32, #tpu.memory_space<hbm>>
    %dma_wait3A_215 = tpu.memref_squeeze %dma_wait3A_214 : memref<1x128x32xf32, #tpu.memory_space<hbm>> -> memref<128x32xf32, #tpu.memory_space<hbm>>
    %dma_wait3A_216 = arith.constant 0 : i32
    %dma_wait3A_217 = arith.constant 0 : i32
    %dma_wait3A_218 = tpu.memref_slice %arg6[%dma_wait3A, %dma_wait3A_216, %dma_wait3A_217] : memref<2x128x32xf32, #tpu.memory_space<vmem>> -> memref<1x128x32xf32, #tpu.memory_space<vmem>>
    %dma_wait3A_219 = tpu.memref_squeeze %dma_wait3A_218 : memref<1x128x32xf32, #tpu.memory_space<vmem>> -> memref<128x32xf32, #tpu.memory_space<vmem>>
    tpu.wait_dma2 semaphore(%arg9 : memref<!tpu.dma_semaphore, #tpu.memory_space<semaphore_mem>>) src(%dma_wait3A_219 : memref<128x32xf32, #tpu.memory_space<vmem>>) dst(%dma_wait3A_215 : memref<128x32xf32, #tpu.memory_space<hbm>>)
    %dma_wait3A_220 = arith.constant 1 : i32
    %dma_wait3A_221 = arith.constant 0 : i32
    %dma_wait3A_222 = arith.constant 0 : i32
    %dma_wait3A_223 = arith.constant 0 : i32
    %dma_wait3A_224 = tpu.memref_slice %arg6[%dma_wait3A_220, %dma_wait3A_222, %dma_wait3A_223] : memref<2x128x32xf32, #tpu.memory_space<vmem>> -> memref<1x128x32xf32, #tpu.memory_space<vmem>>
    %dma_wait3A_225 = tpu.memref_squeeze %dma_wait3A_224 : memref<1x128x32xf32, #tpu.memory_space<vmem>> -> memref<128x32xf32, #tpu.memory_space<vmem>>
    %dma_wait3A_226 = arith.constant 0 : i32
    %dma_wait3A_227 = tpu.memref_slice %arg4[%dma_wait3A_221, %mul3A_2, %dma_wait3A_226] : memref<50x4096x32xf32, #tpu.memory_space<hbm>> -> memref<1x128x32xf32, #tpu.memory_space<hbm>>
    %dma_wait3A_228 = tpu.memref_squeeze %dma_wait3A_227 : memref<1x128x32xf32, #tpu.memory_space<hbm>> -> memref<128x32xf32, #tpu.memory_space<hbm>>
    %dma_wait3A_229 = arith.constant 0 : i32
    %dma_wait3A_230 = tpu.memref_slice %arg4[%dma_wait3A_221, %mul3A_2, %dma_wait3A_229] : memref<50x4096x32xf32, #tpu.memory_space<hbm>> -> memref<1x128x32xf32, #tpu.memory_space<hbm>>
    %dma_wait3A_231 = tpu.memref_squeeze %dma_wait3A_230 : memref<1x128x32xf32, #tpu.memory_space<hbm>> -> memref<128x32xf32, #tpu.memory_space<hbm>>
    %dma_wait3A_232 = arith.constant 0 : i32
    %dma_wait3A_233 = arith.constant 0 : i32
    %dma_wait3A_234 = tpu.memref_slice %arg6[%dma_wait3A_220, %dma_wait3A_232, %dma_wait3A_233] : memref<2x128x32xf32, #tpu.memory_space<vmem>> -> memref<1x128x32xf32, #tpu.memory_space<vmem>>
    %dma_wait3A_235 = tpu.memref_squeeze %dma_wait3A_234 : memref<1x128x32xf32, #tpu.memory_space<vmem>> -> memref<128x32xf32, #tpu.memory_space<vmem>>
    tpu.wait_dma2 semaphore(%arg10 : memref<!tpu.dma_semaphore, #tpu.memory_space<semaphore_mem>>) src(%dma_wait3A_235 : memref<128x32xf32, #tpu.memory_space<vmem>>) dst(%dma_wait3A_231 : memref<128x32xf32, #tpu.memory_space<hbm>>)
    return
  }
}

</mosaic_0001>

<sc_bundles>
// kernel: kernel.3.cloned.1.call-start
scs
__scs_entry_jumppad:
0x0: {  	(pc) =	sbr.rel $0x88, $3  }
0x1: {  	(tag) =	ssettag $0x0;
	lr =	simm.s32 $0x1  }
0x2: {  	[smem:$0x3F9F] =	sst lr;
	_ =	strace $0xD0000000  }
0x3: {  	_ = 	snop  }
0x4: {  	_ = 	snop  }
0x5: {  	_ = 	snop  }
0x6: {  	_ = 	snop  }
0x7: {  	_ = 	snop  }
__scs_overlays_trampoline_lowered:
0x8: {  	[smem:$0x3FAE] =	sst s0  }
0x9: {  	[smem:$0x3FAF] =	sst s1  }
0xa: {  	[smem:$0x3FB0] =	sst s2  }
0xb: {  	[smem:$0x3FB1] =	sst s3  }
0xc: {  	[smem:$0x3FB2] =	sst s4  }
0xd: {  	[smem:$0x3FB3] =	sst s5  }
0xe: {  	[smem:$0x3FB4] =	sst s6  }
0xf: {  	[smem:$0x3FB5] =	sst s7  }
0x10: {  	[smem:$0x3FB6] =	sst s8  }
0x11: {  	[smem:$0x3FB7] =	sst s9;
	s0 =	simm.s32 @!p0 $0x0  }
0x12: {  	s1 =	sld [smem:$0x3F9D];
	s0 =	simm.s32 @p0 $0x1  }
0x13: {  	[smem:$0x3FB8] =	sst s0;
	s0 =	simm.s32 @!p1 $0x0  }
0x14: {  	s2 =	sld [smem:$0x3F9C];
	s0 =	simm.s32 @p1 $0x1  }
0x15: {  	[smem:$0x3FB9] =	sst s0;
	s0 =	simm.s32 @!p2 $0x0  }
0x16: {  	s3 =	sld [smem:$0x3FDB];
	s0 =	simm.s32 @p2 $0x1  }
0x17: {  	s4 =	simm.s32 $0x1BF5;
	[smem:$0x3FBB] =	sst s0  }
0x18: {  	s0 =	sld [smem:$0x3F9E];
	_ =	swait.ge [sflag:s4], $0x0  }
0x19: {  	s7 =	sld [smem:$0x3F9F]  }
0x1a: {  	s8 =	sadd.s32 $0xFFFFE003, lr  }
0x1b: {  	s9 =	sadd.s32 $0xFFFFFEF7, lr;
	s5 =	simm.s32 $0xFFFFFFFF;
	p2 =	slt.u32 s8, $0xFFFFF086  }
0x1c: {  	p1 =	slt.u32 s9, $0xF7A;
	s5 =	simm.s32 @!p2 $0x0  }
0x1d: {  	s5 =	simm.s32 @p1 $0x1;
	p0 =	seq.s32 s7, s2  }
0x1e: {  	s7 =	smul.u32 @!p0 $0xF7A, s2;
	p2 =	seq.s32 @!p0 s5, $0x0  }
0x1f: {  	s9 =	smul.u32 $0xF7A, s1;
	s8 =	simm.s32 @!p0 $0x1BF5;
	p2 =	por !p2, p0  }
0x20: {  	[sflag:s8] =	ssyncset.s32 @!p0 $0xFFFFF086;
	s6 =	sadd.s32 @!p0 s3, s7;
	s7 =	simm.s32 @!p0 $0x108  }
0x21: {  	s3 =	sadd.s32 s3, s9;
	s6 =	sadd.s32 @!p0 $0x88, s6;
	s7 =	simm.s32 @p2 $0x1082  }
0x22: {  	[simem:s7], [sflag:s8] =	dma.local @!p0 [hbm:s6], $0xF7A  }
0x23: {  	s9 =	sor.u32 $0xD0000000, s2;
	s6 =	simm.s32 $0x108;
	_ =	swait.ge @!p0 [sflag:s8], $0x0  }
0x24: {  	s3 =	sadd.s32 $0x88, s3;
	s6 =	simm.s32 @!p1 $0x1082;
	[sflag:s4] =	ssyncset.s32 $0xFFFFF086  }
0x25: {  	[simem:s6], [sflag:s4] =	dma.local [hbm:s3], $0xF7A  }
0x26: {  	[smem:$0x3F9F] =	sst s1;
	(tag) =	ssettag s2;
	_ =	strace s9  }
0x27: {  	s1 =	sld [smem:$0x3FAF]  }
0x28: {  	s2 =	sld [smem:$0x3FB0]  }
0x29: {  	s4 =	sld [smem:$0x3FB2]  }
0x2a: {  	p0 =	seq.s32 s5, $0x0;
	s5 =	sld [smem:$0x3FB3]  }
0x2b: {  	s6 =	sld [smem:$0x3FB4]  }
0x2c: {  	s7 =	sld [smem:$0x3FB5]  }
0x2d: {  	s3 =	simm.s32 $0x108;
	s8 =	sld [smem:$0x3FB6]  }
0x2e: {  	s3 =	simm.s32 @!p0 $0x1082;
	s9 =	sld [smem:$0x3FB7]  }
0x2f: {  	lr =	sadd.s32 s0, s3;
	s0 =	sld [smem:$0x3FAE]  }
0x30: {  	s3 =	sld [smem:$0x3FB1]  }
0x31: {  	[smem:$0x3FBA] =	sst s10  }
0x32: {  	s10 =	sld [smem:$0x3FB8];
	_ =	sdelay $0x3  }
0x33: {  	p0 =	seq.s32 s10, $0x1;
	s10 =	sld [smem:$0x3FBA];
	_ =	sdelay $0x3  }
0x34: {  	[smem:$0x3FBA] =	sst s10  }
0x35: {  	s10 =	sld [smem:$0x3FB9];
	_ =	sdelay $0x3  }
0x36: {  	p1 =	seq.s32 s10, $0x1;
	s10 =	sld [smem:$0x3FBA];
	_ =	sdelay $0x3  }
0x37: {  	[smem:$0x3FBA] =	sst s10  }
0x38: {  	s10 =	sld [smem:$0x3FBB]  }
0x39: {  	_ = 	snop;
	(pc) =	sbr.ind lr, $3  }
0x3a: {  	_ = 	snop  }
0x3b: {  	_ = 	snop  }
0x3c: {  	p2 =	seq.s32 s10, $0x1;
	s10 =	sld [smem:$0x3FBA]  }
0x3d: {  	_ =	shalt  }
0x3e: {  	_ =	shalt  }
0x3f: {  	_ =	shalt  }
0x40: {  	_ =	shalt  }
0x41: {  	_ =	shalt  }
0x42: {  	_ =	shalt  }
0x43: {  	_ =	shalt  }
0x44: {  	_ =	shalt  }
0x45: {  	_ =	shalt  }
0x46: {  	_ =	shalt  }
0x47: {  	_ =	shalt  }
0x48: {  	_ =	shalt  }
0x49: {  	_ =	shalt  }
0x4a: {  	_ =	shalt  }
0x4b: {  	_ =	shalt  }
0x4c: {  	_ =	shalt  }
0x4d: {  	_ =	shalt  }
0x4e: {  	_ =	shalt  }
0x4f: {  	_ =	shalt  }
0x50: {  	_ =	shalt  }
0x51: {  	_ =	shalt  }
0x52: {  	_ =	shalt  }
0x53: {  	_ =	shalt  }
0x54: {  	_ =	shalt  }
0x55: {  	_ =	shalt  }
0x56: {  	_ =	shalt  }
0x57: {  	_ =	shalt  }
0x58: {  	_ =	shalt  }
0x59: {  	_ =	shalt  }
0x5a: {  	_ =	shalt  }
0x5b: {  	_ =	shalt  }
0x5c: {  	_ =	shalt  }
0x5d: {  	_ =	shalt  }
0x5e: {  	_ =	shalt  }
0x5f: {  	_ =	shalt  }
0x60: {  	_ =	shalt  }
0x61: {  	_ =	shalt  }
0x62: {  	_ =	shalt  }
0x63: {  	_ =	shalt  }
0x64: {  	_ =	shalt  }
0x65: {  	_ =	shalt  }
0x66: {  	_ =	shalt  }
0x67: {  	_ =	shalt  }
0x68: {  	_ =	shalt  }
0x69: {  	_ =	shalt  }
0x6a: {  	_ =	shalt  }
0x6b: {  	_ =	shalt  }
0x6c: {  	_ =	shalt  }
0x6d: {  	_ =	shalt  }
0x6e: {  	_ =	shalt  }
0x6f: {  	_ =	shalt  }
0x70: {  	_ =	shalt  }
0x71: {  	_ =	shalt  }
0x72: {  	_ =	shalt  }
0x73: {  	_ =	shalt  }
0x74: {  	_ =	shalt  }
0x75: {  	_ =	shalt  }
0x76: {  	_ =	shalt  }
0x77: {  	_ =	shalt  }
0x78: {  	_ =	shalt  }
0x79: {  	_ =	shalt  }
0x7a: {  	_ =	shalt  }
0x7b: {  	_ =	shalt  }
0x7c: {  	_ =	shalt  }
0x7d: {  	_ =	shalt  }
0x7e: {  	_ =	shalt  }
0x7f: {  	_ =	shalt  }
0x80: {  	_ =	shalt  }
0x81: {  	_ =	shalt  }
0x82: {  	_ =	shalt  }
0x83: {  	_ =	shalt  }
0x84: {  	_ =	shalt  }
0x85: {  	_ =	shalt  }
0x86: {  	_ =	shalt  }
0x87: {  	_ =	shalt  }
.Lfunc_end0:
.L_simem_size_0:
called_computation_lowered:
.L_overlay_start_0:
0x88: {  	s2 =	sld [smem:$0x3FD9]  }
0x89: {  	s3 =	sld [smem:$0x3FFE];
	_ =	sdelay $0x1  }
0x8a: {  	s1 =	srdreg.scid  }
0x8b: {  	s0 =	sand.u32 $0x1, s1  }
0x8c: {  	s17 =	sshll.u32 s0, $0xA;
	s2 =	sadd.s32 s3, s2  }
0x8d: {  	s2 =	sadd.s32 s2, s17  }
0x8e: {  	[smem:$0x3FC6] =	sst s2  }
0x8f: {  	_ = 	snop  }
0x90: {  	s2 =	sld [smem:$0x3FD0];
	(tm) =	ssettm $0x1  }
0x91: {  	s18 =	sld [smem:$0x3FFB];
	_ =	sdelay $0x3  }
0x92: {  	_ =	strace s18  }
0x93: {  	s3 =	sld [smem:$0x3FFC];
	_ =	sdelay $0x3  }
0x94: {  	_ =	strace s3  }
0x95: {  	s3 =	sld [smem:$0x3FFD];
	_ =	sdelay $0x3  }
0x96: {  	_ =	strace s3  }
0x97: {  	_ =	strace $0x8FFFFFFF  }
0x98: {  	s19 =	sld [smem:$0x3FDB];
	_ =	sdelay $0x1  }
0x99: {  	s4 =	simm.s32 $_scs_section_size  }
0x9a: {  	s5 =	simm.s32 $_size__tile_overlayer_lowered;
	s6 =	simm.s32 $_tile_overlayer_lowered  }
0x9b: {  	s22 =	simm.s32 $0x1BFF;
	s21 =	sshll.u32 s6, $0x1;
	s3 =	sadd.s32 s4, s19  }
0x9c: {  	s7 =	simm.s32 $0x0;
	s20 =	sshll.u32 s5, $0x1;
	s5 =	sadd.s32 s21, s3  }
0x9d: {  	[timem:s7], [sflag:s22] =	dma.local [hbm:s5], s20  }
0x9e: {  	_ =	swait.ge [sflag:s22], s20  }
0x9f: {  	s4 =	ssub.s32 $0x0, s20;
	[sflag:s22] =	ssyncset.done $0x0  }
0xa0: {  	[sflag:s22] =	ssyncadd.s32 s4;
	_ =	sdelay $0x1  }
0xa1: {  	s23 =	simm.s32 $0x1B8B  }
0xa2: {  	_ =	swait.ge [sflag:s23], $0x1  }
0xa3: {  	[sflag:s23] =	ssyncset.done $0x0  }
0xa4: {  	s25 =	simm.s32 $0x1B8E;
	s24 =	sld [smem:$0x3FFE];
	[sflag:s23] =	ssyncadd.s32 $0xFFFFFFFF  }
0xa5: {  	s26 =	simm.s32 $execute0_lowered;
	[smem:$0x3FD2] =	sst s25  }
0xa6: {  	s5 =	sshll.u32 s26, $0x1;
	_ =	strace $0x80000046;
	[dreg:$0x1] =	wrdreg $0xFFFFFFFF  }
0xa7: {  	s28 =	simm.s32 $_size_execute0_lowered;
	s3 =	sadd.s32 s3, s5;
	[dreg:$0x0] =	wrdreg $0x0  }
0xa8: {  	s5 =	sshll.u32 s28, $0x1;
	[dreg:$0x2] =	wrdreg s3  }
0xa9: {  	[dreg:$0x3] =	wrdreg s5  }
0xaa: {  	[dreg:$0x4] =	wrdreg $0xC0  }
0xab: {  	_ =	task [dreg:s7], $0x5FFFF  }
0xac: {  	[dreg:$0x1] =	wrdreg $0xFFFFFFFF  }
0xad: {  	[dreg:$0x0] =	wrdreg $0x60  }
0xae: {  	[dreg:$0x2] =	wrdreg s24  }
0xaf: {  	[dreg:$0x3] =	wrdreg s2  }
0xb0: {  	[dreg:$0x4] =	wrdreg $0x9  }
0xb1: {  	_ =	task.clear_ibuf [dreg:s7], $0x5FFFF;
	_ =	strace $0x90000046  }
0xb2: {  	s29 =	simm.s32 $0x9;
	_ =	strace $0x80000048  }
0xb3: {  	_ =	swait.ge [sflag:s29], $0x1  }
0xb4: {  	[sflag:s29] =	ssyncadd.s32 $0xFFFFFFFF  }
0xb5: {  	_ =	strace $0x90000048  }
0xb6: {  	_ =	sfence  }
0xb7: {  	s30 =	sld [smem:$0x0];
	_ =	sdelay $0x2  }
0xb8: {  	s31 =	sshll.u32 s1, $0xD;
	s1 =	sshrl.u32 s1, $0x2  }
0xb9: {  	s3 =	sand.u32 $0x4000, s31;
	s1 =	sadd.s32 s1, s30  }
0xba: {  	s0 =	sor.u32 s3, s0;
	s1 =	sshll.u32 s1, $0x11  }
0xbb: {  	s0 =	sor.u32 s1, s0  }
0xbc: {  	s0 =	sadd.s32 $0x8F2B, s0  }
0xbd: {  	[sflag:s0] =	ssyncadd.remote.s32 $0x1  }
0xbe: {  	_ =	sfence.sel $0xFFFF  }
0xbf: {  	[dreg:$0x0] =	wrdreg $0xFFFFFFFF;
	(pc) =	sbr.abs _section_cstart, $3  }
0xc0: {  	[dreg:$0x1] =	wrdreg $0xFFFFFFFF  }
0xc1: {  	_ =	task.clear_ibuf [dreg:s7], $0x2FFFF;
	_ =	strace $0x9FFFFFFF  }
0xc2: {  	(tm) =	ssettm $0x7FFFFFFF  }
0xc3: {  	_ =	shalt  }
tec
execute0_lowered:
.L_overlay_start_1:
0x0: {  	(tag) =	ssettag $0x1  }
0x1: {  	s1 =	srdreg.scid;
	s3 =	rddreg [dreg:$0x0]  }
0x2: {  	s0 =	stileid.u32;
	s6 =	rddreg [dreg:$0x1]  }
0x3: {  	s2 =	simm.s32 $0x0;
	s11 =	simm.s32 $0x1900;
	s12 =	simm.s32 $0x2900  }
0x4: {  	s13 =	simm.s32 $0x1;
	s14 =	simm.s32 $0x3;
	s15 =	simm.s32 $0x2  }
0x5: {  	s16 =	simm.s32 $0x4;
	s5 =	sand.u32 $0x1, s1;
	s1 =	rddreg [dreg:$0x2]  }
0x6: {  	s17 =	simm.s32 $0x0;
	s4 =	sshll.u32 s0, $0x8;
	[smem:$0x7FF] =	sst s2  }
0x7: {  	s30 =	sshll.u32 s0, $0xA;
	s7 =	sshll.u32 s5, $0x7;
	s8 =	ssub.s32 $0x2, s5  }
0x8: {  	_ =	strace $0x80000047;
	s7 =	sor.u32 s7, s4;
	s9 =	sshrl.u32 s8, $0x1  }
0x9: {  	s10 =	sshll.u32 s5, $0x9;
	s4 =	sshrl.u32 s7, $0x3;
	s8 =	ssub.s32 s8, s9  }
0xa: {  	s9 =	sadd.s32 s30, s6;
	s7 =	sshll.u32 s7, $0x2;
	s4 =	sadd.s32 s4, s3  }
0xb: {  	s3 =	sadd.s32 $0xF42C00, s3;
	s5 =	smax.u32 s8, $0x1;
	s31 =	sadd.s32 s10, s9  }
0xc: {  	s6 =	sadd.s32 s6, s7;
	s8 =	simm.s32 $0x80;
	s9 =	simm.s32 $0x1000  }
0xd: {  	s10 =	simm.s32 $0x5;
	s4 =	sadd.s32 $0x600, s4;
	s7 =	sadd.s32 $0x4000, s31  }
.LBB2_1:
0xe: {  	[tilespmem:s2], [sflag:$0x5] =	stream.strided.gather [hbm4b:s4+s8], $0x1900, s9, s8, $0x38;
	[tilespmem:$0x3900] =	vst v63  }
0xf: {  	_ =	swait.ge [sflag:s10], $0x1900  }
0x10: {  	[sflag:s10] =	ssyncset.done $0x0  }
0x11: {  	[sflag:s10] =	ssyncadd.s32 $0xFFFFE700  }
0x12: {  	v0 =	vld [tilespmem:$0x0]  }
0x13: {  	v1 =	vld [tilespmem:$0x10]  }
0x14: {  	v2 =	vld [tilespmem:$0x20]  }
0x15: {  	v3 =	vld [tilespmem:$0x30]  }
0x16: {  	v4 =	vld [tilespmem:$0x40]  }
0x17: {  	v5 =	vld [tilespmem:$0x50];
	v0 =	vadd.s32 $0x1, v0  }
0x18: {  	v17 =	vld [tilespmem:$0x60];
	v16 =	vadd.s32 $0x1, v1;
	[tilespmem:$0x0] =	vst v0  }
0x19: {  	v19 =	vld [tilespmem:$0x70];
	v18 =	vadd.s32 $0x1, v2;
	[tilespmem:$0x10] =	vst v16  }
0x1a: {  	v20 =	vadd.s32 $0x1, v3;
	[tilespmem:$0x20] =	vst v18  }
0x1b: {  	v21 =	vadd.s32 $0x1, v4;
	[tilespmem:$0x30] =	vst v20  }
0x1c: {  	v22 =	vadd.s32 $0x1, v5;
	[tilespmem:$0x40] =	vst v21  }
0x1d: {  	v23 =	vadd.s32 $0x1, v17;
	[tilespmem:$0x50] =	vst v22  }
0x1e: {  	v24 =	vadd.s32 $0x1, v19;
	[tilespmem:$0x60] =	vst v23  }
0x1f: {  	[tilespmem:$0x70] =	vst v24  }
0x20: {  	[tilespmem:s11], [sflag:$0x1] =	stream.indirect.gather [hbm4b:s3+s8], $0x20, s2, s8, $0xb8;
	[tilespmem:$0x3900] =	vst v63  }
0x21: {  	v25 =	vld [tilespmem:$0x80]  }
0x22: {  	v26 =	vld [tilespmem:$0x90]  }
0x23: {  	v27 =	vld [tilespmem:$0xA0]  }
0x24: {  	v28 =	vld [tilespmem:$0xB0]  }
0x25: {  	v29 =	vld [tilespmem:$0xC0]  }
0x26: {  	v30 =	vld [tilespmem:$0xD0];
	v0 =	vadd.s32 $0x1, v25  }
0x27: {  	v32 =	vld [tilespmem:$0xE0];
	v31 =	vadd.s32 $0x1, v26;
	[tilespmem:$0x80] =	vst v0  }
0x28: {  	v34 =	vld [tilespmem:$0xF0];
	v33 =	vadd.s32 $0x1, v27;
	[tilespmem:$0x90] =	vst v31  }
0x29: {  	v35 =	vadd.s32 $0x1, v28;
	[tilespmem:$0xA0] =	vst v33  }
0x2a: {  	v36 =	vadd.s32 $0x1, v29;
	[tilespmem:$0xB0] =	vst v35  }
0x2b: {  	v37 =	vadd.s32 $0x1, v30;
	[tilespmem:$0xC0] =	vst v36  }
0x2c: {  	v38 =	vadd.s32 $0x1, v32;
	[tilespmem:$0xD0] =	vst v37  }
0x2d: {  	v39 =	vadd.s32 $0x1, v34;
	[tilespmem:$0xE0] =	vst v38  }
0x2e: {  	[tilespmem:$0xF0] =	vst v39  }
0x2f: {  	[tilespmem:s12], [sflag:$0x2] =	stream.indirect.gather [hbm4b:s3+s8], $0x20, s8, s8, $0xb8;
	[tilespmem:$0x3900] =	vst v63  }
0x30: {  	_ =	swait.ge [sflag:s13], $0x1000  }
0x31: {  	[sflag:s13] =	ssyncset.done $0x0  }
0x32: {  	s18 =	simm.s32 $0x0;
	[sflag:s13] =	ssyncadd.s32 $0xFFFFF000  }
0x33: {  	[hbm4b:s6+s2] =	stream.linear.scatter [tilespmem:s11], [sflag:$0x3], $0x1000, $0x38;
	[tilespmem:$0x3900] =	vst v63  }
0x34: {  	v40 =	vld [tilespmem:s18+$0x150]  }
0x35: {  	v41 =	vld [tilespmem:s18+$0x140]  }
0x36: {  	v42 =	vld [tilespmem:s18+$0x120]  }
0x37: {  	v43 =	vld [tilespmem:s18+$0x110]  }
0x38: {  	v44 =	vld [tilespmem:s18+$0x130]  }
0x39: {  	v45 =	vld [tilespmem:s18+$0x160];
	v0 =	vadd.s32 $0x1, v40  }
0x3a: {  	v6 =	vld [tilespmem:s18+$0x100];
	v1 =	vadd.s32 $0x1, v41;
	[tilespmem:s18+$0x150] =	vst v0  }
0x3b: {  	v46 =	vld [tilespmem:s18+$0x170];
	v47 =	vadd.s32 $0x1, v42;
	[tilespmem:s18+$0x140] =	vst v1  }
0x3c: {  	v48 =	vadd.s32 $0x1, v43;
	[tilespmem:s18+$0x120] =	vst v47  }
0x3d: {  	v49 =	vadd.s32 $0x1, v44;
	[tilespmem:s18+$0x110] =	vst v48  }
0x3e: {  	v50 =	vadd.s32 $0x1, v45;
	[tilespmem:s18+$0x130] =	vst v49  }
0x3f: {  	v51 =	vadd.s32 $0x1, v6;
	[tilespmem:s18+$0x160] =	vst v50  }
0x40: {  	v0 =	vadd.s32 $0x1, v46;
	[tilespmem:s18+$0x100] =	vst v51  }
0x41: {  	[tilespmem:s18+$0x170] =	vst v0  }
0x42: {  	_ =	swait.ge [sflag:s14], $0x1000  }
0x43: {  	[sflag:s14] =	ssyncset.done $0x0  }
0x44: {  	s19 =	simm.s32 $0x100;
	[sflag:s14] =	ssyncadd.s32 $0xFFFFF000  }
0x45: {  	[tilespmem:s11], [sflag:$0x1] =	stream.indirect.gather [hbm4b:s3+s8], $0x20, s19, s8, $0xb8;
	[tilespmem:$0x3900] =	vst v63  }
0x46: {  	_ =	swait.ge [sflag:s15], $0x1000  }
0x47: {  	[sflag:s15] =	ssyncset.done $0x0  }
0x48: {  	[sflag:s15] =	ssyncadd.s32 $0xFFFFF000  }
0x49: {  	[hbm4b:s7+s2] =	stream.linear.scatter [tilespmem:s12], [sflag:$0x4], $0x1000, $0x38;
	[tilespmem:$0x3900] =	vst v63  }
0x4a: {  	v52 =	vld [tilespmem:s18+$0x180]  }
0x4b: {  	v53 =	vld [tilespmem:s18+$0x1F0]  }
0x4c: {  	v54 =	vld [tilespmem:s18+$0x1A0]  }
0x4d: {  	v55 =	vld [tilespmem:s18+$0x1B0]  }
0x4e: {  	v56 =	vld [tilespmem:s18+$0x1C0]  }
0x4f: {  	v57 =	vld [tilespmem:s18+$0x1D0];
	v0 =	vadd.s32 $0x1, v52  }
0x50: {  	v59 =	vld [tilespmem:s18+$0x190];
	v1 =	vadd.s32 $0x1, v53;
	[tilespmem:s18+$0x180] =	vst v0  }
0x51: {  	v58 =	vld [tilespmem:s18+$0x1E0];
	v2 =	vadd.s32 $0x1, v54;
	[tilespmem:s18+$0x1F0] =	vst v1  }
0x52: {  	v60 =	vadd.s32 $0x1, v55;
	[tilespmem:s18+$0x1A0] =	vst v2  }
0x53: {  	v61 =	vadd.s32 $0x1, v56;
	[tilespmem:s18+$0x1B0] =	vst v60  }
0x54: {  	v62 =	vadd.s32 $0x1, v57;
	[tilespmem:s18+$0x1C0] =	vst v61  }
0x55: {  	v63 =	vadd.s32 $0x1, v59;
	[tilespmem:s18+$0x1D0] =	vst v62  }
0x56: {  	v0 =	vadd.s32 $0x1, v58;
	[tilespmem:s18+$0x190] =	vst v63  }
0x57: {  	[tilespmem:s18+$0x1E0] =	vst v0  }
0x58: {  	_ =	swait.ge [sflag:s16], $0x1000  }
0x59: {  	[sflag:s16] =	ssyncset.done $0x0  }
0x5a: {  	s31 =	simm.s32 $0x180;
	[sflag:s16] =	ssyncadd.s32 $0xFFFFF000  }
0x5b: {  	[tilespmem:s12], [sflag:$0x2] =	stream.indirect.gather [hbm4b:s3+s8], $0x20, s31, s8, $0xb8;
	[tilespmem:$0x3900] =	vst v63  }
0x5c: {  	s20 =	simm.s32 $0x100;
	_ =	swait.ge [sflag:s13], $0x1000  }
0x5d: {  	s21 =	simm.s32 $0x800;
	s19 =	sadd.s32 $0x8000, s7;
	[sflag:s13] =	ssyncset.done $0x0  }
0x5e: {  	s22 =	sadd.s32 $0x4000, s7;
	s18 =	sadd.s32 $0x8000, s19;
	[sflag:s13] =	ssyncadd.s32 $0xFFFFF000  }
.LBB2_2:
0x5f: {  	[hbm4b:s22+s2] =	stream.linear.scatter [tilespmem:s11], [sflag:$0x3], $0x1000, $0x38;
	[tilespmem:$0x3900] =	vst v63  }
0x60: {  	s22 =	sshra.s32 s21, $0x2;
	p0 =	sne.s32 s21, $0x5C00;
	s21 =	sadd.s32 $0x400, s21;
	v0 =	vld [tilespmem:s20+$0x150]  }
0x61: {  	v1 =	vld [tilespmem:s20+$0x140]  }
0x62: {  	v2 =	vld [tilespmem:s20+$0x130]  }
0x63: {  	v3 =	vld [tilespmem:s20+$0x120]  }
0x64: {  	v4 =	vld [tilespmem:s20+$0x110]  }
0x65: {  	v5 =	vld [tilespmem:s20+$0x100];
	v0 =	vadd.s32 $0x1, v0  }
0x66: {  	v1 =	vadd.s32 $0x1, v1;
	[tilespmem:s20+$0x150] =	vst v0;
	v0 =	vld [tilespmem:s20+$0x160]  }
0x67: {  	[tilespmem:s20+$0x140] =	vst v1;
	v1 =	vld [tilespmem:s20+$0x170]  }
0x68: {  	v3 =	vadd.s32 $0x1, v3  }
0x69: {  	v4 =	vadd.s32 $0x1, v4;
	[tilespmem:s20+$0x120] =	vst v3  }
0x6a: {  	v2 =	vadd.s32 $0x1, v2;
	v3 =	vadd.s32 $0x1, v5;
	[tilespmem:s20+$0x110] =	vst v4  }
0x6b: {  	[tilespmem:s20+$0x130] =	vst v2;
	v0 =	vadd.s32 $0x1, v0  }
0x6c: {  	[tilespmem:s20+$0x160] =	vst v0;
	v0 =	vadd.s32 $0x1, v1  }
0x6d: {  	[tilespmem:s20+$0x170] =	vst v0  }
0x6e: {  	[tilespmem:s20+$0x100] =	vst v3  }
0x6f: {  	_ =	swait.ge [sflag:s14], $0x1000  }
0x70: {  	[sflag:s14] =	ssyncset.done $0x0  }
0x71: {  	s23 =	sadd.s32 $0x100, s20;
	[sflag:s14] =	ssyncadd.s32 $0xFFFFF000  }
0x72: {  	[tilespmem:s11], [sflag:$0x1] =	stream.indirect.gather [hbm4b:s3+s8], $0x20, s23, s8, $0xb8;
	[tilespmem:$0x3900] =	vst v63  }
0x73: {  	_ =	swait.ge [sflag:s15], $0x1000  }
0x74: {  	[sflag:s15] =	ssyncset.done $0x0  }
0x75: {  	[sflag:s15] =	ssyncadd.s32 $0xFFFFF000  }
0x76: {  	[hbm4b:s19+s2] =	stream.linear.scatter [tilespmem:s12], [sflag:$0x4], $0x1000, $0x38;
	[tilespmem:$0x3900] =	vst v63  }
0x77: {  	v0 =	vld [tilespmem:s20+$0x180]  }
0x78: {  	v1 =	vld [tilespmem:s20+$0x1F0]  }
0x79: {  	v2 =	vld [tilespmem:s20+$0x1A0]  }
0x7a: {  	v3 =	vld [tilespmem:s20+$0x1B0]  }
0x7b: {  	v4 =	vld [tilespmem:s20+$0x1C0]  }
0x7c: {  	v0 =	vadd.s32 $0x1, v0;
	v5 =	vld [tilespmem:s20+$0x1D0]  }
0x7d: {  	[tilespmem:s20+$0x180] =	vst v0;
	v0 =	vld [tilespmem:s20+$0x1E0];
	v1 =	vadd.s32 $0x1, v1  }
0x7e: {  	v6 =	vld [tilespmem:s20+$0x190];
	v2 =	vadd.s32 $0x1, v2;
	[tilespmem:s20+$0x1F0] =	vst v1  }
0x7f: {  	[tilespmem:s20+$0x1A0] =	vst v2;
	v1 =	vadd.s32 $0x1, v3  }
0x80: {  	[tilespmem:s20+$0x1B0] =	vst v1;
	v1 =	vadd.s32 $0x1, v4  }
0x81: {  	[tilespmem:s20+$0x1C0] =	vst v1;
	v1 =	vadd.s32 $0x1, v5  }
0x82: {  	[tilespmem:s20+$0x1D0] =	vst v1;
	v0 =	vadd.s32 $0x1, v0  }
0x83: {  	v1 =	vadd.s32 $0x1, v6;
	[tilespmem:s20+$0x1E0] =	vst v0  }
0x84: {  	[tilespmem:s20+$0x190] =	vst v1  }
0x85: {  	_ =	swait.ge [sflag:s16], $0x1000  }
0x86: {  	s23 =	sadd.s32 $0x180, s20;
	s20 =	smov.u32 s22;
	[sflag:s16] =	ssyncset.done $0x0  }
.Ltmp0:
0x87: {  	[sflag:s16] =	ssyncadd.s32 $0xFFFFF000;
	(pc) =	sbr.rel @p0 .LBB2_2-.Ltmp0, $4  }
0x88: {  	[tilespmem:s12], [sflag:$0x2] =	stream.indirect.gather [hbm4b:s3+s8], $0x20, s23, s8, $0xb8;
	[tilespmem:$0x3900] =	vst v63  }
0x89: {  	_ =	swait.ge [sflag:s13], $0x1000  }
0x8a: {  	s22 =	sadd.s32 $0x4000, s19;
	s19 =	smov.u32 s18;
	[sflag:s13] =	ssyncset.done $0x0  }
0x8b: {  	s18 =	sadd.s32 $0x8000, s18;
	[sflag:s13] =	ssyncadd.s32 $0xFFFFF000  }
0x8c: {  	[hbm4b:s22+s2] =	stream.linear.scatter [tilespmem:s11], [sflag:$0x3], $0x1000, $0x38;
	[tilespmem:$0x3900] =	vst v63  }
0x8d: {  	v0 =	vld [tilespmem:s20+$0x150]  }
0x8e: {  	v1 =	vld [tilespmem:s20+$0x140]  }
0x8f: {  	v3 =	vld [tilespmem:s20+$0x120]  }
0x90: {  	v4 =	vld [tilespmem:s20+$0x110]  }
0x91: {  	v2 =	vld [tilespmem:s20+$0x130]  }
0x92: {  	v50 =	vld [tilespmem:s20+$0x160];
	v0 =	vadd.s32 $0x1, v0  }
0x93: {  	v5 =	vld [tilespmem:s20+$0x100];
	v49 =	vadd.s32 $0x1, v1;
	[tilespmem:s20+$0x150] =	vst v0  }
0x94: {  	v51 =	vld [tilespmem:s20+$0x170];
	v3 =	vadd.s32 $0x1, v3;
	[tilespmem:s20+$0x140] =	vst v49  }
0x95: {  	v4 =	vadd.s32 $0x1, v4;
	[tilespmem:s20+$0x120] =	vst v3  }
0x96: {  	v2 =	vadd.s32 $0x1, v2;
	[tilespmem:s20+$0x110] =	vst v4  }
0x97: {  	v1 =	vadd.s32 $0x1, v50;
	[tilespmem:s20+$0x130] =	vst v2  }
0x98: {  	v52 =	vadd.s32 $0x1, v5;
	[tilespmem:s20+$0x160] =	vst v1  }
0x99: {  	v0 =	vadd.s32 $0x1, v51;
	[tilespmem:s20+$0x100] =	vst v52  }
0x9a: {  	[tilespmem:s20+$0x170] =	vst v0  }
0x9b: {  	_ =	swait.ge [sflag:s14], $0x1000  }
0x9c: {  	[sflag:s14] =	ssyncset.done $0x0  }
0x9d: {  	s21 =	sadd.s32 $0x100, s20;
	[sflag:s14] =	ssyncadd.s32 $0xFFFFF000  }
0x9e: {  	[tilespmem:s11], [sflag:$0x1] =	stream.indirect.gather [hbm4b:s3+s8], $0x20, s21, s8, $0xb8;
	[tilespmem:$0x3900] =	vst v63  }
0x9f: {  	_ =	swait.ge [sflag:s15], $0x1000  }
0xa0: {  	[sflag:s15] =	ssyncset.done $0x0  }
0xa1: {  	[sflag:s15] =	ssyncadd.s32 $0xFFFFF000  }
0xa2: {  	[hbm4b:s19+s2] =	stream.linear.scatter [tilespmem:s12], [sflag:$0x4], $0x1000, $0x38;
	[tilespmem:$0x3900] =	vst v63  }
0xa3: {  	v53 =	vld [tilespmem:s20+$0x180]  }
0xa4: {  	v54 =	vld [tilespmem:s20+$0x1F0]  }
0xa5: {  	v55 =	vld [tilespmem:s20+$0x1A0]  }
0xa6: {  	v56 =	vld [tilespmem:s20+$0x1B0]  }
0xa7: {  	v57 =	vld [tilespmem:s20+$0x1C0]  }
0xa8: {  	v58 =	vld [tilespmem:s20+$0x1D0];
	v0 =	vadd.s32 $0x1, v53  }
0xa9: {  	v6 =	vld [tilespmem:s20+$0x190];
	v1 =	vadd.s32 $0x1, v54;
	[tilespmem:s20+$0x180] =	vst v0  }
0xaa: {  	v59 =	vld [tilespmem:s20+$0x1E0];
	v2 =	vadd.s32 $0x1, v55;
	[tilespmem:s20+$0x1F0] =	vst v1  }
0xab: {  	v60 =	vadd.s32 $0x1, v56;
	[tilespmem:s20+$0x1A0] =	vst v2  }
0xac: {  	v61 =	vadd.s32 $0x1, v57;
	[tilespmem:s20+$0x1B0] =	vst v60  }
0xad: {  	v62 =	vadd.s32 $0x1, v58;
	[tilespmem:s20+$0x1C0] =	vst v61  }
0xae: {  	v63 =	vadd.s32 $0x1, v6;
	[tilespmem:s20+$0x1D0] =	vst v62  }
0xaf: {  	v0 =	vadd.s32 $0x1, v59;
	[tilespmem:s20+$0x190] =	vst v63  }
0xb0: {  	[tilespmem:s20+$0x1E0] =	vst v0  }
0xb1: {  	_ =	swait.ge [sflag:s16], $0x1000  }
0xb2: {  	[sflag:s16] =	ssyncset.done $0x0  }
0xb3: {  	s30 =	sadd.s32 $0x180, s20;
	[sflag:s16] =	ssyncadd.s32 $0xFFFFF000  }
0xb4: {  	[tilespmem:s12], [sflag:$0x2] =	stream.indirect.gather [hbm4b:s3+s8], $0x20, s30, s8, $0xb8;
	[tilespmem:$0x3900] =	vst v63  }
0xb5: {  	_ =	swait.ge [sflag:s13], $0x1000  }
0xb6: {  	[sflag:s13] =	ssyncset.done $0x0  }
0xb7: {  	s31 =	sadd.s32 $0x4000, s19;
	[sflag:s13] =	ssyncadd.s32 $0xFFFFF000  }
0xb8: {  	[hbm4b:s31+s2] =	stream.linear.scatter [tilespmem:s11], [sflag:$0x3], $0x1000, $0x38;
	[tilespmem:$0x3900] =	vst v63  }
0xb9: {  	_ =	swait.ge [sflag:s15], $0x1000  }
0xba: {  	[sflag:s15] =	ssyncset.done $0x0  }
0xbb: {  	s17 =	sadd.s32 $0x1, s17;
	[sflag:s15] =	ssyncadd.s32 $0xFFFFF000  }
0xbc: {  	[hbm4b:s18+s2] =	stream.linear.scatter [tilespmem:s12], [sflag:$0x4], $0x1000, $0x38;
	[tilespmem:$0x3900] =	vst v63  }
0xbd: {  	p0 =	sne.s32 s17, s5;
	_ =	swait.ge [sflag:s14], $0x1000  }
.Ltmp1:
0xbe: {  	[sflag:s14] =	ssyncset.done $0x0;
	(pc) =	sbr.rel @p0 .LBB2_1-.Ltmp1, $4  }
0xbf: {  	[sflag:s14] =	ssyncadd.s32 $0xFFFFF000  }
0xc0: {  	_ =	swait.ge [sflag:s16], $0x1000  }
0xc1: {  	[sflag:s16] =	ssyncset.done $0x0  }
0xc2: {  	[sflag:s16] =	ssyncadd.s32 $0xFFFFF000  }
0xc3: {  	_ =	sfence.sel $0x180000  }
0xc4: {  	[bflag:$0x0] =	sbarrier.arrive $0xFFFF  }
0xc5: {  	p0 =	sne.s32 s0, $0x0;
	_ =	strace $0x90000047  }
0xc6: {  	s0 =	sadd.s32 @!p0 $0x100000, s1;
	[bflag:$0x2] =	sbarrier.arrive $0xFFFF  }
0xc7: {  	[sflag:s0] =	ssyncadd.tile.s32 @!p0 $0x1;
	_ =	shalt  }
.Lfunc_end2:
_tile_overlayer_lowered:
.L_overlay_start_2:
0xc8: {  	(tag) =	ssettag $0x2  }
0xc9: {  	s0 =	rddreg [dreg:$0x0];
	s2 =	stileid.u32  }
0xca: {  	s1 =	rddreg [dreg:$0x1];
	p0 =	sne.s32 s2, $0x0  }
0xcb: {  	s3 =	rddreg [dreg:$0x2];
	[bflag:$0x3] =	sbarrier.arrive $0xFFFF;
	s2 =	simm.s32 @!p0 $0x1C05  }
0xcc: {  	[timem:s3], [sflag:s2] =	dma.local @!p0 [hbm:s0], s1  }
0xcd: {  	s0 =	simm.s32 @!p0 $0x5  }
0xce: {  	_ =	swait.ge @!p0 [sflag:s0], s1  }
0xcf: {  	s1 =	ssub.s32 @!p0 $0x0, s1;
	[sflag:s0] =	ssyncset.done @!p0 $0x0  }
0xd0: {  	[sflag:s0] =	ssyncadd.s32 @!p0 s1  }
0xd1: {  	[bflag:$0x3] =	sbarrier.arrive $0xFFFF  }
0xd2: {  	_ =	shalt  }

</sc_bundles>
